<compile_context>
chip_gen: v7x
topology: tpu7x:2x2x1
jax: 0.10.2.dev20260603
libtpu: 0.0.44.dev20260713+nightly
codegen_flags: <defaults>
</compile_context>

<pallas_src>
import functools

import jax
import jax.numpy as jnp
from jax.experimental import pallas as pl
from jax.experimental.pallas import tpu as pltpu
from jax.experimental.pallas import tpu_sc as plsc

_HI = jax.lax.Precision.HIGHEST


def _dot_ref(x, w):
    return jnp.dot(x.astype(jnp.bfloat16), w.astype(jnp.bfloat16),
                   preferred_element_type=jnp.float32)



def _sqdist(a, b):
    return jnp.sum((a[:, :, None, :] - b[:, None, :, :]) ** 2, axis=-1)


def _fps_kernel(S, x_ref, y_ref, z_ref, out_ref):
    b, n = x_ref.shape
    x = x_ref[...]
    y = y_ref[...]
    z = z_ref[...]
    iota_n = jax.lax.broadcasted_iota(jnp.int32, (b, n), 1)
    iota_s = jax.lax.broadcasted_iota(jnp.int32, (b, S), 1)

    def body(i, state):
        dists, sel, idx_col = state
        onehot = (iota_n == idx_col).astype(jnp.float32)
        lx = jnp.sum(x * onehot, axis=1, keepdims=True)
        ly = jnp.sum(y * onehot, axis=1, keepdims=True)
        lz = jnp.sum(z * onehot, axis=1, keepdims=True)
        d = (x - lx) ** 2 + (y - ly) ** 2 + (z - lz) ** 2
        dists = jnp.minimum(dists, d)
        m = jnp.max(dists, axis=1, keepdims=True)
        idx_col = jnp.min(jnp.where(dists == m, iota_n, n), axis=1,
                          keepdims=True)
        sel = jnp.where(iota_s == i, idx_col, sel)
        return (dists, sel, idx_col)

    dists0 = jnp.full((b, n), 1e10, dtype=jnp.float32)
    sel0 = jnp.zeros((b, S), dtype=jnp.int32)
    idx0 = jnp.zeros((b, 1), dtype=jnp.int32)
    _, sel, _ = jax.lax.fori_loop(1, S, body, (dists0, sel0, idx0))
    out_ref[...] = sel


def _fps(xyz, S):
    b, n, _ = xyz.shape
    x = xyz[..., 0]
    y = xyz[..., 1]
    z = xyz[..., 2]
    return pl.pallas_call(
        functools.partial(_fps_kernel, S),
        in_specs=[pl.BlockSpec((b, n), lambda: (0, 0))] * 3,
        out_specs=pl.BlockSpec((b, S), lambda: (0, 0)),
        out_shape=jax.ShapeDtypeStruct((b, S), jnp.int32),
    )(x, y, z)


def _gather(pts, idx):
    return jax.vmap(lambda p, i: p[i])(pts, idx)


def _ball_query(new_xyz, xyz, radius, K):
    n = xyz.shape[1]
    d2 = _sqdist(new_xyz, xyz)
    nn = jnp.argmin(d2, axis=-1).astype(jnp.int32)
    cand = jnp.where(d2 < radius * radius,
                     jnp.arange(n, dtype=jnp.int32)[None, None, :], n)
    cand = jnp.sort(cand, axis=-1)[..., :K]
    first = cand[..., :1]
    cand = jnp.where(cand == n, jnp.broadcast_to(first, cand.shape), cand)
    cand = jnp.where(cand == n, nn[..., None], cand)
    return cand


def _mlp(x, params):
    for W, b in params:
        x = jnp.maximum(x @ W + b, 0.0)
    return x


def _ballq_kernel(radius2, K, p_ref, c_ref, out_ref):
    pts = p_ref[0]
    ctr = c_ref[0]
    n = pts.shape[1]
    s = ctr.shape[0]
    nchunks = n // 128
    cx, cy, cz = ctr[:, 0:1], ctr[:, 1:2], ctr[:, 2:3]
    iota128 = jax.lax.broadcasted_iota(jnp.int32, (s, 128), 1)
    iota_k = jax.lax.broadcasted_iota(jnp.int32, (s, K), 1)
    folded = jnp.zeros((s, 128), jnp.int32)
    dmin = jnp.full((s, 1), 1e30, jnp.float32)
    nn = jnp.zeros((s, 1), jnp.int32)
    for q in range(nchunks):
        px = pts[0:1, q * 128:(q + 1) * 128]
        py = pts[1:2, q * 128:(q + 1) * 128]
        pz = pts[2:3, q * 128:(q + 1) * 128]
        d = (cx - px) ** 2 + (cy - py) ** 2 + (cz - pz) ** 2
        kept = d < radius2
        bit = jnp.int32(-2**31) if q == 31 else jnp.int32(1 << q)
        folded = folded | jnp.where(kept, bit, 0)
        cm = jnp.min(d, axis=1, keepdims=True)
        carg = jnp.min(jnp.where(d == cm, iota128 + q * 128, n), axis=1,
                       keepdims=True)
        nn = jnp.where(cm < dmin, carg, nn)
        dmin = jnp.minimum(dmin, cm)

    def body(k, state):
        folded, sel = state
        lsb = folded & (-folded)
        f = lsb.astype(jnp.float32)
        q = ((jax.lax.bitcast_convert_type(f, jnp.int32) >> 23) & 255) - 127
        jl = jnp.where(folded != 0, q * 128 + iota128, n)
        m = jnp.min(jl, axis=1, keepdims=True)
        sel = jnp.where(iota_k == k, m, sel)
        folded = jnp.where((iota128 == (m & 127)) & (m < n),
                           folded & (folded - 1), folded)
        return (folded, sel)

    sel0 = jnp.full((s, K), n, jnp.int32)
    _, sel = jax.lax.fori_loop(0, K, body, (folded, sel0))
    first = sel[:, 0:1]
    sel = jnp.where(sel == n, first, sel)
    sel = jnp.where(sel == n, nn, sel)
    out_ref[0] = sel + pl.program_id(0) * n


def _ball_query_global(new_xyzp, xyzt, radius, K):
    b, s, _ = new_xyzp.shape
    n = xyzt.shape[2]
    return pl.pallas_call(
        functools.partial(_ballq_kernel, radius * radius, K),
        grid=(b,),
        in_specs=[
            pl.BlockSpec((1, 8, n), lambda i: (i, 0, 0)),
            pl.BlockSpec((1, s, 8), lambda i: (i, 0, 0)),
        ],
        out_specs=pl.BlockSpec((1, s, K), lambda i: (i, 0, 0)),
        out_shape=jax.ShapeDtypeStruct((b, s, K), jnp.int32),
    )(xyzt, new_xyzp)


def _sc_gather(data, indices):
    num = indices.shape[0]
    c = data.shape[1]
    window = 128
    mesh = plsc.VectorSubcoreMesh(core_axis_name="core",
                                  subcore_axis_name="subcore")
    idx2 = indices.reshape(1, num)

    @functools.partial(
        pl.kernel,
        out_type=jax.ShapeDtypeStruct((num, c), data.dtype),
        mesh=mesh)
    def gather_kernel(x_hbm, i_hbm, o_hbm):
        def body(i_vmem, o_vmem):
            pltpu.sync_copy(x_hbm.at[i_vmem.at[0]], o_vmem)

        pltpu.emit_pipeline(
            body,
            grid=(num // window,),
            in_specs=[pl.BlockSpec((1, window), index_map=lambda i: (0, i))],
            out_specs=[pl.BlockSpec((window, c), index_map=lambda i: (i, 0))],
            core_axis_name=('core', 'subcore'),
            dimension_semantics=(pltpu.PARALLEL,),
        )(i_hbm, o_hbm)

    return gather_kernel(data, idx2)


def _samlp_kernel(K, n_layers, g_ref, c_ref, *refs):
    wrefs, out_ref = refs[:2 * n_layers], refs[-1]
    x = g_ref[0]
    ctr = c_ref[0]
    rs = ctr.shape[0]
    cp = ctr.shape[1]
    x = (x.reshape(rs, K, cp) - ctr[:, None, :]).reshape(rs * K, cp)
    for i in range(n_layers):
        w, bias = wrefs[2 * i][...], wrefs[2 * i + 1][...]
        x = jnp.maximum(_dot_ref(x, w) + bias, 0.0)
    cout = x.shape[1]
    out_ref[0] = jnp.max(x.reshape(rs, K, cout), axis=1)


def _sa_mlp(gathered, cpad, K, params, rs):
    b, sk, cp = gathered.shape
    s = sk // K
    n_layers = len(params)
    w1 = jnp.pad(params[0][0], [(0, cp - params[0][0].shape[0]), (0, 0)])
    weights = [w1, params[0][1]]
    for w, bias in params[1:]:
        weights += [w, bias]
    cout = params[-1][0].shape[1]
    in_specs = [
        pl.BlockSpec((1, rs * K, cp), lambda i, j: (i, j, 0)),
        pl.BlockSpec((1, rs, cp), lambda i, j: (i, j, 0)),
    ]
    for wgt in weights:
        if wgt.ndim == 2:
            in_specs.append(pl.BlockSpec(wgt.shape, lambda i, j: (0, 0)))
        else:
            in_specs.append(pl.BlockSpec(wgt.shape, lambda i, j: (0,)))
    return pl.pallas_call(
        functools.partial(_samlp_kernel, K, n_layers),
        grid=(b, s // rs),
        in_specs=in_specs,
        out_specs=pl.BlockSpec((1, rs, cout), lambda i, j: (i, j, 0)),
        out_shape=jax.ShapeDtypeStruct((b, s, cout), jnp.float32),
    )(gathered, cpad, *weights)


def _set_abstraction(xyz, feats, S, radius, K, params):
    b, n, _ = xyz.shape
    cin = 3 + feats.shape[-1]
    cp = -(-cin // 128) * 128
    idx = _fps(xyz, S)
    new_xyz = _gather(xyz, idx)
    xyzt = jnp.swapaxes(_pad_last(xyz, 8), 1, 2)
    group_idx = _ball_query_global(_pad_last(new_xyz, 8), xyzt, radius, K)
    data = _pad_last(jnp.concatenate([xyz, feats], axis=-1), cp)
    g = _sc_gather(data.reshape(b * n, cp), group_idx.reshape(-1))
    g = g.reshape(b, S * K, cp)
    cpad = _pad_last(new_xyz, cp)
    rs = max(1, 2048 // K)
    pooled = _sa_mlp(g, cpad, K, params, rs)
    return new_xyz, pooled


def _sa_all_kernel(x_ref, f_ref, w1a_ref, w1b_ref, b1_ref, w2_ref, b2_ref,
                   w3_ref, b3_ref, out_ref):
    x3 = x_ref[0]
    f3 = f_ref[0]
    h = _dot_ref(x3, w1a_ref[...]) + _dot_ref(f3, w1b_ref[...]) + b1_ref[...]
    h = jnp.maximum(h, 0.0)
    h = jnp.maximum(_dot_ref(h, w2_ref[...]) + b2_ref[...], 0.0)
    h = jnp.maximum(_dot_ref(h, w3_ref[...]) + b3_ref[...], 0.0)
    out_ref[0] = jnp.max(h, axis=0, keepdims=True)


def _set_abstraction_all(xyz, feats, params):
    b, n, _ = xyz.shape
    c2 = feats.shape[-1]
    (w1, b1), (w2, b2), (w3, b3) = params
    w1a = jnp.pad(w1[:3], [(0, 5), (0, 0)])
    w1b = w1[3:]
    cout = w3.shape[1]
    f4 = pl.pallas_call(
        _sa_all_kernel,
        grid=(b,),
        in_specs=[
            pl.BlockSpec((1, n, 8), lambda i: (i, 0, 0)),
            pl.BlockSpec((1, n, c2), lambda i: (i, 0, 0)),
            pl.BlockSpec(w1a.shape, lambda i: (0, 0)),
            pl.BlockSpec(w1b.shape, lambda i: (0, 0)),
            pl.BlockSpec(b1.shape, lambda i: (0,)),
            pl.BlockSpec(w2.shape, lambda i: (0, 0)),
            pl.BlockSpec(b2.shape, lambda i: (0,)),
            pl.BlockSpec(w3.shape, lambda i: (0, 0)),
            pl.BlockSpec(b3.shape, lambda i: (0,)),
        ],
        out_specs=pl.BlockSpec((1, 1, cout), lambda i: (i, 0, 0)),
        out_shape=jax.ShapeDtypeStruct((b, 1, cout), jnp.float32),
    )(_pad_last(xyz, 8), feats, w1a, w1b, b1, w2, b2, w3, b3)
    return jnp.mean(xyz, axis=1, keepdims=True), f4


def _fp_kernel(n_layers, with_seg, x1_ref, qt_ref, f1_ref, f2_ref, *refs):
    nw = 3 + (n_layers - 1) * 2 + (6 if with_seg else 0)
    wrefs, outs = refs[:nw], refs[nw:]
    P = x1_ref[0]
    QT = qt_ref[0]
    f1 = f1_ref[0]
    f2 = f2_ref[0]
    R, s = P.shape[0], QT.shape[1]
    d2 = ((P[:, 0:1] - QT[0:1, :]) ** 2
          + (P[:, 1:2] - QT[1:2, :]) ** 2
          + (P[:, 2:3] - QT[2:3, :]) ** 2)
    iota = jax.lax.broadcasted_iota(jnp.int32, (R, s), 1)
    wmat = jnp.zeros((R, s), jnp.float32)
    d2w = d2
    for _ in range(3):
        m = jnp.min(d2w, axis=1, keepdims=True)
        idx = jnp.min(jnp.where(d2w == m, iota, s), axis=1, keepdims=True)
        onehot = iota == idx
        wmat = wmat + jnp.where(onehot, 1.0 / (m + 1e-8), 0.0)
        d2w = jnp.where(onehot, jnp.float32(3.4e38), d2w)
    wsum = jnp.sum(wmat, axis=1, keepdims=True)
    interp = jnp.dot(wmat, f2, preferred_element_type=jnp.float32, precision=jax.lax.Precision.HIGHEST) / wsum
    w1a, w1b, b1 = wrefs[0][...], wrefs[1][...], wrefs[2][...]
    h = _dot_ref(f1, w1a) + _dot_ref(interp, w1b) + b1
    h = jnp.maximum(h, 0.0)
    k = 3
    for _ in range(n_layers - 1):
        w, b = wrefs[k][...], wrefs[k + 1][...]
        k += 2
        h = jnp.maximum(_dot_ref(h, w) + b, 0.0)
    outs[0][0] = h
    if with_seg:
        sw1, sb1, sw2, sb2, sw3, sb3 = (r[...] for r in wrefs[k:k + 6])
        g = _dot_ref(h, sw1) + sb1
        g = jnp.where(g > 0, g, 0.2 * g)
        g = _dot_ref(g, sw2) + sb2
        g = jnp.where(g > 0, g, 0.2 * g)
        outs[1][0] = _dot_ref(g, sw3) + sb3


def _pad_last(a, to):
    c = a.shape[-1]
    if c == to:
        return a
    return jnp.pad(a, [(0, 0)] * (a.ndim - 1) + [(0, to - c)])


def _feature_propagation_fused(xyz1, xyz2, feats1, feats2, params, tile,
                               seg_params=None):
    b, n = xyz1.shape[0], xyz1.shape[1]
    s = xyz2.shape[1]
    c1 = feats1.shape[-1]
    c1p = 16 if c1 < 16 else c1
    c2 = feats2.shape[-1]
    x1p = _pad_last(xyz1, 8)
    qt = jnp.swapaxes(_pad_last(xyz2, 8), 1, 2)
    f1p = _pad_last(feats1, c1p)
    w1 = params[0][0]
    w1a, w1b = w1[:c1], w1[c1:]
    w1a = jnp.pad(w1a, [(0, c1p - c1), (0, 0)])
    weights = [w1a, w1b, params[0][1]]
    for w, bias in params[1:]:
        weights += [w, bias]
    n_layers = len(params)
    with_seg = seg_params is not None
    if with_seg:
        for w, bias in seg_params:
            weights += [w, bias]
    cout = params[-1][0].shape[1]
    grid = (b, n // tile)
    in_specs = [
        pl.BlockSpec((1, tile, 8), lambda i, j: (i, j, 0)),
        pl.BlockSpec((1, 8, s), lambda i, j: (i, 0, 0)),
        pl.BlockSpec((1, tile, c1p), lambda i, j: (i, j, 0)),
        pl.BlockSpec((1, s, c2), lambda i, j: (i, 0, 0)),
    ]
    for wgt in weights:
        if wgt.ndim == 2:
            in_specs.append(pl.BlockSpec(wgt.shape, lambda i, j: (0, 0)))
        else:
            in_specs.append(pl.BlockSpec(wgt.shape, lambda i, j: (0,)))
    out_specs = [pl.BlockSpec((1, tile, cout), lambda i, j: (i, j, 0))]
    out_shape = [jax.ShapeDtypeStruct((b, n, cout), jnp.float32)]
    if with_seg:
        l = seg_params[-1][0].shape[1]
        out_specs.append(pl.BlockSpec((1, tile, l), lambda i, j: (i, j, 0)))
        out_shape.append(jax.ShapeDtypeStruct((b, n, l), jnp.float32))
    outs = pl.pallas_call(
        functools.partial(_fp_kernel, n_layers, with_seg),
        grid=grid,
        in_specs=in_specs,
        out_specs=out_specs,
        out_shape=out_shape,
    )(x1p, qt, f1p, feats2, *weights)
    return outs if with_seg else outs[0]


def _fp3_kernel(f3_ref, f4_ref, w1a_ref, w1b_ref, b1_ref, w2_ref, b2_ref,
                out_ref):
    f3 = f3_ref[0]
    f4 = f4_ref[0]
    h = _dot_ref(f3, w1a_ref[...]) + _dot_ref(f4, w1b_ref[...]) + b1_ref[...]
    h = jnp.maximum(h, 0.0)
    h = _dot_ref(h, w2_ref[...]) + b2_ref[...]
    out_ref[0] = jnp.maximum(h, 0.0)


def _feature_propagation_bcast(feats1, feats2, params):
    b, n, c1 = feats1.shape
    c2 = feats2.shape[-1]
    (w1, b1), (w2, b2) = params
    w1a, w1b = w1[:c1], w1[c1:]
    cout = w2.shape[1]
    return pl.pallas_call(
        _fp3_kernel,
        grid=(b,),
        in_specs=[
            pl.BlockSpec((1, n, c1), lambda i: (i, 0, 0)),
            pl.BlockSpec((1, 1, c2), lambda i: (i, 0, 0)),
            pl.BlockSpec(w1a.shape, lambda i: (0, 0)),
            pl.BlockSpec(w1b.shape, lambda i: (0, 0)),
            pl.BlockSpec(b1.shape, lambda i: (0,)),
            pl.BlockSpec(w2.shape, lambda i: (0, 0)),
            pl.BlockSpec(b2.shape, lambda i: (0,)),
        ],
        out_specs=pl.BlockSpec((1, n, cout), lambda i: (i, 0, 0)),
        out_shape=jax.ShapeDtypeStruct((b, n, cout), jnp.float32),
    )(feats1, feats2.reshape(b, 1, c2), w1a, w1b, b1, w2, b2)


def kernel(pointcloud, params):
    xyz0, f0 = pointcloud[..., :3], pointcloud[..., 3:]
    xyz1, f1 = _set_abstraction(xyz0, f0, 1024, 0.1, 32, params['sa1'])
    xyz2, f2 = _set_abstraction(xyz1, f1, 256, 0.2, 64, params['sa2'])
    xyz3, f3 = _set_abstraction(xyz2, f2, 64, 0.4, 128, params['sa3'])
    xyz4, f4 = _set_abstraction_all(xyz3, f3, params['sa_all'])
    f3 = _feature_propagation_bcast(f3, f4, params['fp3'])
    f2 = _feature_propagation_fused(xyz2, xyz3, f2, f3, params['fp2'], 256)
    f1 = _feature_propagation_fused(xyz1, xyz2, f1, f2, params['fp1'], 512)
    point_features, logits = _feature_propagation_fused(
        xyz0, xyz1, pointcloud, f1, params['fp0'], 512,
        seg_params=params['seg'])
    global_features = f4.reshape(f4.shape[0], 512)
    return (point_features, global_features, logits)

# --- scband reference (transcript-rebuilt; emitter-appended) ---
"""Pipeline reference for scband-point-net2-75084618268927 (READ-ONLY COPY).

The authoritative reference and input builder live on the scoring server;
editing this copy changes nothing except your own understanding.
"""

import jax, jax.numpy as jnp
import numpy as np

B, N, F, L = 8, 4096, 9, 13

def _sqdist(a, b):
    return jnp.sum((a[:, :, None, :] - b[:, None, :, :]) ** 2, axis=-1)

def _fps(xyz, S):
    n = xyz.shape[1]
    def one(pts):
        def body(i, state):
            idxs, dists = state
            last = pts[idxs[i - 1]]
            d = jnp.sum((pts - last) ** 2, axis=-1)
            dists = jnp.minimum(dists, d)
            idxs = idxs.at[i].set(jnp.argmax(dists).astype(jnp.int32))
            return (idxs, dists)
        idxs0 = jnp.zeros((S,), dtype=jnp.int32)
        d0 = jnp.full((n,), 1e10, dtype=jnp.float32)
        idxs, _ = jax.lax.fori_loop(1, S, body, (idxs0, d0))
        return idxs
    return jax.vmap(one)(xyz)

def _gather(pts, idx):
    return jax.vmap(lambda p, i: p[i])(pts, idx)

def _ball_query(new_xyz, xyz, radius, K):
    n = xyz.shape[1]
    d2 = _sqdist(new_xyz, xyz)
    nn = jnp.argmin(d2, axis=-1).astype(jnp.int32)
    cand = jnp.where(d2 < radius * radius, jnp.arange(n, dtype=jnp.int32)[None, None, :], n)
    cand = jnp.sort(cand, axis=-1)[..., :K]
    first = cand[..., :1]
    cand = jnp.where(cand == n, jnp.broadcast_to(first, cand.shape), cand)
    cand = jnp.where(cand == n, nn[..., None], cand)
    return cand

def _mlp(x, params):
    for W, b in params:
        x = jnp.maximum(x @ W + b, 0.0)
    return x

def _set_abstraction(xyz, feats, S, radius, K, params):
    idx = _fps(xyz, S)
    new_xyz = _gather(xyz, idx)
    group_idx = _ball_query(new_xyz, xyz, radius, K)
    g_xyz = _gather(xyz, group_idx) - new_xyz[:, :, None, :]
    g_feat = _gather(feats, group_idx)
    x = jnp.concatenate([g_xyz, g_feat], axis=-1)
    x = _mlp(x, params)
    return new_xyz, jnp.max(x, axis=2)

def _set_abstraction_all(xyz, feats, params):
    x = jnp.concatenate([xyz, feats], axis=-1)[:, None, :, :]
    x = _mlp(x, params)
    return jnp.mean(xyz, axis=1, keepdims=True), jnp.max(x, axis=2)

def _feature_propagation(xyz1, xyz2, feats1, feats2, params):
    b, n = xyz1.shape[0], xyz1.shape[1]
    s = xyz2.shape[1]
    if s == 1:
        interp = jnp.broadcast_to(feats2, (b, n, feats2.shape[-1]))
    else:
        d2 = _sqdist(xyz1, xyz2)
        neg, idx = jax.lax.top_k(-d2, 3)
        w = 1.0 / (-neg + 1e-8)
        w = w / jnp.sum(w, axis=-1, keepdims=True)
        g = jax.vmap(lambda f, i: f[i])(feats2, idx)
        interp = jnp.sum(g * w[..., None], axis=2)
    return _mlp(jnp.concatenate([feats1, interp], axis=-1), params)

def _leaky(x):
    return jnp.where(x > 0, x, 0.2 * x)

def _seg_head(x, params):
    (W1, b1), (W2, b2), (W3, b3) = params
    x = _leaky(x @ W1 + b1)
    x = _leaky(x @ W2 + b2)
    return x @ W3 + b3

def _make_mlp(key, cin, sizes):
    params = []
    c = cin
    for i, cout in enumerate(sizes):
        k = jax.random.fold_in(key, i)
        lim = float(np.sqrt(6.0 / (c + cout)))
        W = jax.random.uniform(k, (c, cout), minval=-lim, maxval=lim, dtype=jnp.float32)
        params.append((W, jnp.zeros((cout,), dtype=jnp.float32)))
        c = cout
    return params

def setup_inputs(seed: int = 0):
    key = jax.random.key(seed)
    pointcloud = jax.random.uniform(jax.random.fold_in(key, 1), (B, N, F), dtype=jnp.float32)
    pk = jax.random.fold_in(key, 2)
    params = {
        'sa1': _make_mlp(jax.random.fold_in(pk, 0), 3 + (F - 3), [32, 32, 64]),
        'sa2': _make_mlp(jax.random.fold_in(pk, 1), 3 + 64, [64, 64, 128]),
        'sa3': _make_mlp(jax.random.fold_in(pk, 2), 3 + 128, [128, 128, 256]),
        'sa_all': _make_mlp(jax.random.fold_in(pk, 3), 3 + 256, [256, 256, 512]),
        'fp3': _make_mlp(jax.random.fold_in(pk, 4), 256 + 512, [256, 256]),
        'fp2': _make_mlp(jax.random.fold_in(pk, 5), 128 + 256, [256, 256]),
        'fp1': _make_mlp(jax.random.fold_in(pk, 6), 64 + 256, [256, 128]),
        'fp0': _make_mlp(jax.random.fold_in(pk, 7), F + 128, [128, 128, 128, 128]),
        'seg': _make_mlp(jax.random.fold_in(pk, 8), 128, [128, 64, L]),
    }
    return {'pointcloud': pointcloud, 'params': params}

def _forward(pointcloud, params):
    xyz0, f0 = pointcloud[..., :3], pointcloud[..., 3:]
    xyz1, f1 = _set_abstraction(xyz0, f0, 1024, 0.1, 32, params['sa1'])
    xyz2, f2 = _set_abstraction(xyz1, f1, 256, 0.2, 64, params['sa2'])
    xyz3, f3 = _set_abstraction(xyz2, f2, 64, 0.4, 128, params['sa3'])
    xyz4, f4 = _set_abstraction_all(xyz3, f3, params['sa_all'])
    f3 = _feature_propagation(xyz3, xyz4, f3, f4, params['fp3'])
    f2 = _feature_propagation(xyz2, xyz3, f2, f3, params['fp2'])
    f1 = _feature_propagation(xyz1, xyz2, f1, f2, params['fp1'])
    point_features = _feature_propagation(xyz0, xyz1, pointcloud, f1, params['fp0'])
    global_features = f4.reshape(f4.shape[0], 512)
    logits = _seg_head(point_features, params['seg'])
    return (point_features, global_features, logits)

def reference(pointcloud, params):
    return _forward(pointcloud, params)

if __name__ == "__main__":
    import jax
    _d = setup_inputs()
    print(jax.jit(kernel)(*tuple(_d.values())))

</pallas_src>

<mosaic_0001>
module attributes {stable_mosaic.version = 14 : i64} {
  func.func @_fp3_kernel(%arg0: i32, %arg1: memref<1x64x256xf32, #tpu.memory_space<vmem>>, %arg2: memref<1x1x512xf32, #tpu.memory_space<vmem>>, %arg3: memref<256x256xf32, #tpu.memory_space<vmem>>, %arg4: memref<512x256xf32, #tpu.memory_space<vmem>>, %arg5: memref<256xf32, #tpu.memory_space<vmem>>, %arg6: memref<256x256xf32, #tpu.memory_space<vmem>>, %arg7: memref<256xf32, #tpu.memory_space<vmem>>, %arg8: memref<1x64x256xf32, #tpu.memory_space<vmem>>) attributes {dimension_semantics = [#tpu.dimension_semantics<arbitrary>], iteration_bounds = array<i64: 8>, scalar_prefetch = 0 : i64, scratch_operands = 0 : i64, tpu.core_type = #tpu.core_type<tc>, window_params = [{transform_indices = @transform_0, window_bounds = array<i64: 1, 64, 256>}, {transform_indices = @transform_1, window_bounds = array<i64: 1, 1, 512>}, {pipeline_mode = #tpu.pipeline_mode<synchronous>, transform_indices = @transform_2, window_bounds = array<i64: 256, 256>}, {pipeline_mode = #tpu.pipeline_mode<synchronous>, transform_indices = @transform_3, window_bounds = array<i64: 512, 256>}, {pipeline_mode = #tpu.pipeline_mode<synchronous>, transform_indices = @transform_4, window_bounds = array<i64: 256>}, {pipeline_mode = #tpu.pipeline_mode<synchronous>, transform_indices = @transform_5, window_bounds = array<i64: 256, 256>}, {pipeline_mode = #tpu.pipeline_mode<synchronous>, transform_indices = @transform_6, window_bounds = array<i64: 256>}, {transform_indices = @transform_7, window_bounds = array<i64: 1, 64, 256>}]} {
    %get3A = arith.constant 0 : index
    %get3A_0 = arith.constant 0 : index
    %get3A_1 = arith.constant 0 : index
    %get3A_2 = vector.load %arg1[%get3A, %get3A_0, %get3A_1] : memref<1x64x256xf32, #tpu.memory_space<vmem>>, vector<1x64x256xf32>
    %get3A_3 = vector.shape_cast %get3A_2 : vector<1x64x256xf32> to vector<64x256xf32>
    %get3A_4 = arith.constant 0 : index
    %get3A_5 = arith.constant 0 : index
    %get3A_6 = arith.constant 0 : index
    %get3A_7 = vector.load %arg2[%get3A_4, %get3A_5, %get3A_6] : memref<1x1x512xf32, #tpu.memory_space<vmem>>, vector<1x1x512xf32>
    %get3A_8 = vector.shape_cast %get3A_7 : vector<1x1x512xf32> to vector<1x512xf32>
    %get3A_9 = arith.constant 0 : index
    %get3A_10 = arith.constant 0 : index
    %get3A_11 = vector.load %arg3[%get3A_9, %get3A_10] : memref<256x256xf32, #tpu.memory_space<vmem>>, vector<256x256xf32>
    %convert_element_type3A = arith.truncf %get3A_3 : vector<64x256xf32> to vector<64x256xbf16>
    %convert_element_type3A_12 = arith.truncf %get3A_11 : vector<256x256xf32> to vector<256x256xbf16>
    %dot_general3A = arith.constant dense<0.000000e+00> : vector<64x256xf32>
    %dot_general3A_13 = tpu.matmul %convert_element_type3A, %convert_element_type3A_12, %dot_general3A {dimension_numbers = #tpu.dot_dimension_numbers<[1], [0], [0], [1], [0, 0, 1, 1], [], []>, transpose_lhs_hint = false} : vector<64x256xbf16>, vector<256x256xbf16>, vector<64x256xf32> -> vector<64x256xf32>
    %get3A_14 = arith.constant 0 : index
    %get3A_15 = arith.constant 0 : index
    %get3A_16 = vector.load %arg4[%get3A_14, %get3A_15] : memref<512x256xf32, #tpu.memory_space<vmem>>, vector<512x256xf32>
    %convert_element_type3A_17 = arith.truncf %get3A_8 : vector<1x512xf32> to vector<1x512xbf16>
    %convert_element_type3A_18 = arith.truncf %get3A_16 : vector<512x256xf32> to vector<512x256xbf16>
    %dot_general3A_19 = arith.constant dense<0.000000e+00> : vector<1x256xf32>
    %dot_general3A_20 = tpu.matmul %convert_element_type3A_17, %convert_element_type3A_18, %dot_general3A_19 {dimension_numbers = #tpu.dot_dimension_numbers<[1], [0], [0], [1], [0, 0, 1, 1], [], []>, transpose_lhs_hint = false} : vector<1x512xbf16>, vector<512x256xbf16>, vector<1x256xf32> -> vector<1x256xf32>
    %add3A = vector.broadcast %dot_general3A_20 : vector<1x256xf32> to vector<64x256xf32>
    %add3A_21 = arith.addf %dot_general3A_13, %add3A : vector<64x256xf32>
    %get3A_22 = arith.constant 0 : index
    %get3A_23 = vector.load %arg5[%get3A_22] : memref<256xf32, #tpu.memory_space<vmem>>, vector<256xf32>
    %broadcast_in_dim3A = vector.shape_cast %get3A_23 : vector<256xf32> to vector<1x256xf32>
    %add3A_24 = vector.broadcast %broadcast_in_dim3A : vector<1x256xf32> to vector<64x256xf32>
    %add3A_25 = arith.addf %add3A_21, %add3A_24 : vector<64x256xf32>
    %max3A = arith.constant 0.000000e+00 : f32
    %max3A_26 = vector.broadcast %max3A : f32 to vector<64x256xf32>
    %max3A_27 = arith.maximumf %add3A_25, %max3A_26 : vector<64x256xf32>
    %get3A_28 = arith.constant 0 : index
    %get3A_29 = arith.constant 0 : index
    %get3A_30 = vector.load %arg6[%get3A_28, %get3A_29] : memref<256x256xf32, #tpu.memory_space<vmem>>, vector<256x256xf32>
    %convert_element_type3A_31 = arith.truncf %max3A_27 : vector<64x256xf32> to vector<64x256xbf16>
    %convert_element_type3A_32 = arith.truncf %get3A_30 : vector<256x256xf32> to vector<256x256xbf16>
    %dot_general3A_33 = arith.constant dense<0.000000e+00> : vector<64x256xf32>
    %dot_general3A_34 = tpu.matmul %convert_element_type3A_31, %convert_element_type3A_32, %dot_general3A_33 {dimension_numbers = #tpu.dot_dimension_numbers<[1], [0], [0], [1], [0, 0, 1, 1], [], []>, transpose_lhs_hint = false} : vector<64x256xbf16>, vector<256x256xbf16>, vector<64x256xf32> -> vector<64x256xf32>
    %get3A_35 = arith.constant 0 : index
    %get3A_36 = vector.load %arg7[%get3A_35] : memref<256xf32, #tpu.memory_space<vmem>>, vector<256xf32>
    %broadcast_in_dim3A_37 = vector.shape_cast %get3A_36 : vector<256xf32> to vector<1x256xf32>
    %add3A_38 = vector.broadcast %broadcast_in_dim3A_37 : vector<1x256xf32> to vector<64x256xf32>
    %add3A_39 = arith.addf %dot_general3A_34, %add3A_38 : vector<64x256xf32>
    %max3A_40 = arith.constant 0.000000e+00 : f32
    %max3A_41 = vector.broadcast %max3A_40 : f32 to vector<64x256xf32>
    %max3A_42 = arith.maximumf %add3A_39, %max3A_41 : vector<64x256xf32>
    %swap3A = arith.constant 0 : index
    %swap3A_43 = arith.constant 0 : index
    %swap3A_44 = arith.constant 0 : index
    %swap3A_45 = vector.load %arg8[%swap3A, %swap3A_43, %swap3A_44] : memref<1x64x256xf32, #tpu.memory_space<vmem>>, vector<1x64x256xf32>
    %swap3A_46 = vector.shape_cast %swap3A_45 : vector<1x64x256xf32> to vector<64x256xf32>
    %swap3A_47 = vector.shape_cast %max3A_42 : vector<64x256xf32> to vector<1x64x256xf32>
    tpu.vector_store %arg8[%swap3A, %swap3A_43, %swap3A_44], %swap3A_47 {strides = array<i32>} : memref<1x64x256xf32, #tpu.memory_space<vmem>>, vector<1x64x256xf32>,
    return
  }
  func.func @transform_0(%arg0: i32) -> (i32, i32, i32) {
    %c0_i32 = arith.constant 0 : i32
    %c0_i32_0 = arith.constant 0 : i32
    %c0_i32_1 = arith.constant 0 : i32
    return %arg0, %c0_i32, %c0_i32_0 : i32, i32, i32
  }
  func.func @transform_1(%arg0: i32) -> (i32, i32, i32) {
    %c0_i32 = arith.constant 0 : i32
    %c0_i32_0 = arith.constant 0 : i32
    %c0_i32_1 = arith.constant 0 : i32
    return %arg0, %c0_i32, %c0_i32_0 : i32, i32, i32
  }
  func.func @transform_2(%arg0: i32) -> (i32, i32) {
    %c0_i32 = arith.constant 0 : i32
    %c0_i32_0 = arith.constant 0 : i32
    %c0_i32_1 = arith.constant 0 : i32
    return %c0_i32, %c0_i32_0 : i32, i32
  }
  func.func @transform_3(%arg0: i32) -> (i32, i32) {
    %c0_i32 = arith.constant 0 : i32
    %c0_i32_0 = arith.constant 0 : i32
    %c0_i32_1 = arith.constant 0 : i32
    return %c0_i32, %c0_i32_0 : i32, i32
  }
  func.func @transform_4(%arg0: i32) -> i32 {
    %c0_i32 = arith.constant 0 : i32
    %c0_i32_0 = arith.constant 0 : i32
    return %c0_i32 : i32
  }
  func.func @transform_5(%arg0: i32) -> (i32, i32) {
    %c0_i32 = arith.constant 0 : i32
    %c0_i32_0 = arith.constant 0 : i32
    %c0_i32_1 = arith.constant 0 : i32
    return %c0_i32, %c0_i32_0 : i32, i32
  }
  func.func @transform_6(%arg0: i32) -> i32 {
    %c0_i32 = arith.constant 0 : i32
    %c0_i32_0 = arith.constant 0 : i32
    return %c0_i32 : i32
  }
  func.func @transform_7(%arg0: i32) -> (i32, i32, i32) {
    %c0_i32 = arith.constant 0 : i32
    %c0_i32_0 = arith.constant 0 : i32
    %c0_i32_1 = arith.constant 0 : i32
    return %arg0, %c0_i32, %c0_i32_0 : i32, i32, i32
  }
}

module attributes {stable_mosaic.version = 14 : i64} {
  func.func @_fp_kernel(%arg0: i32, %arg1: i32, %arg2: memref<1x256x8xf32, #tpu.memory_space<vmem>>, %arg3: memref<1x8x64xf32, #tpu.memory_space<vmem>>, %arg4: memref<1x256x128xf32, #tpu.memory_space<vmem>>, %arg5: memref<1x64x256xf32, #tpu.memory_space<vmem>>, %arg6: memref<128x256xf32, #tpu.memory_space<vmem>>, %arg7: memref<256x256xf32, #tpu.memory_space<vmem>>, %arg8: memref<256xf32, #tpu.memory_space<vmem>>, %arg9: memref<256x256xf32, #tpu.memory_space<vmem>>, %arg10: memref<256xf32, #tpu.memory_space<vmem>>, %arg11: memref<1x256x256xf32, #tpu.memory_space<vmem>>) attributes {dimension_semantics = [#tpu.dimension_semantics<arbitrary>, #tpu.dimension_semantics<arbitrary>], iteration_bounds = array<i64: 8, 1>, scalar_prefetch = 0 : i64, scratch_operands = 0 : i64, tpu.core_type = #tpu.core_type<tc>, window_params = [{transform_indices = @transform_0, window_bounds = array<i64: 1, 256, 8>}, {transform_indices = @transform_1, window_bounds = array<i64: 1, 8, 64>}, {transform_indices = @transform_2, window_bounds = array<i64: 1, 256, 128>}, {transform_indices = @transform_3, window_bounds = array<i64: 1, 64, 256>}, {pipeline_mode = #tpu.pipeline_mode<synchronous>, transform_indices = @transform_4, window_bounds = array<i64: 128, 256>}, {pipeline_mode = #tpu.pipeline_mode<synchronous>, transform_indices = @transform_5, window_bounds = array<i64: 256, 256>}, {pipeline_mode = #tpu.pipeline_mode<synchronous>, transform_indices = @transform_6, window_bounds = array<i64: 256>}, {pipeline_mode = #tpu.pipeline_mode<synchronous>, transform_indices = @transform_7, window_bounds = array<i64: 256, 256>}, {pipeline_mode = #tpu.pipeline_mode<synchronous>, transform_indices = @transform_8, window_bounds = array<i64: 256>}, {transform_indices = @transform_9, window_bounds = array<i64: 1, 256, 256>}]} {
    %get3A = arith.constant 0 : index
    %get3A_0 = arith.constant 0 : index
    %get3A_1 = arith.constant 0 : index
    %get3A_2 = vector.load %arg2[%get3A, %get3A_0, %get3A_1] : memref<1x256x8xf32, #tpu.memory_space<vmem>>, vector<1x256x8xf32>
    %get3A_3 = vector.shape_cast %get3A_2 : vector<1x256x8xf32> to vector<256x8xf32>
    %get3A_4 = arith.constant 0 : index
    %get3A_5 = arith.constant 0 : index
    %get3A_6 = arith.constant 0 : index
    %get3A_7 = vector.load %arg3[%get3A_4, %get3A_5, %get3A_6] : memref<1x8x64xf32, #tpu.memory_space<vmem>>, vector<1x8x64xf32>
    %get3A_8 = vector.shape_cast %get3A_7 : vector<1x8x64xf32> to vector<8x64xf32>
    %get3A_9 = arith.constant 0 : index
    %get3A_10 = arith.constant 0 : index
    %get3A_11 = arith.constant 0 : index
    %get3A_12 = vector.load %arg4[%get3A_9, %get3A_10, %get3A_11] : memref<1x256x128xf32, #tpu.memory_space<vmem>>, vector<1x256x128xf32>
    %get3A_13 = vector.shape_cast %get3A_12 : vector<1x256x128xf32> to vector<256x128xf32>
    %get3A_14 = arith.constant 0 : index
    %get3A_15 = arith.constant 0 : index
    %get3A_16 = arith.constant 0 : index
    %get3A_17 = vector.load %arg5[%get3A_14, %get3A_15, %get3A_16] : memref<1x64x256xf32, #tpu.memory_space<vmem>>, vector<1x64x256xf32>
    %get3A_18 = vector.shape_cast %get3A_17 : vector<1x64x256xf32> to vector<64x256xf32>
    %slice3A = vector.extract_strided_slice %get3A_3 {offsets = [0, 0], sizes = [256, 1], strides = [1, 1]} : vector<256x8xf32> to vector<256x1xf32>
    %slice3A_19 = vector.extract_strided_slice %get3A_8 {offsets = [0, 0], sizes = [1, 64], strides = [1, 1]} : vector<8x64xf32> to vector<1x64xf32>
    %sub3A = vector.broadcast %slice3A : vector<256x1xf32> to vector<256x64xf32>
    %sub3A_20 = vector.broadcast %slice3A_19 : vector<1x64xf32> to vector<256x64xf32>
    %sub3A_21 = arith.subf %sub3A, %sub3A_20 : vector<256x64xf32>
    %integer_pow3A = arith.mulf %sub3A_21, %sub3A_21 : vector<256x64xf32>
    %slice3A_22 = vector.extract_strided_slice %get3A_3 {offsets = [0, 1], sizes = [256, 1], strides = [1, 1]} : vector<256x8xf32> to vector<256x1xf32>
    %slice3A_23 = vector.extract_strided_slice %get3A_8 {offsets = [1, 0], sizes = [1, 64], strides = [1, 1]} : vector<8x64xf32> to vector<1x64xf32>
    %sub3A_24 = vector.broadcast %slice3A_22 : vector<256x1xf32> to vector<256x64xf32>
    %sub3A_25 = vector.broadcast %slice3A_23 : vector<1x64xf32> to vector<256x64xf32>
    %sub3A_26 = arith.subf %sub3A_24, %sub3A_25 : vector<256x64xf32>
    %integer_pow3A_27 = arith.mulf %sub3A_26, %sub3A_26 : vector<256x64xf32>
    %add3A = arith.addf %integer_pow3A, %integer_pow3A_27 : vector<256x64xf32>
    %slice3A_28 = vector.extract_strided_slice %get3A_3 {offsets = [0, 2], sizes = [256, 1], strides = [1, 1]} : vector<256x8xf32> to vector<256x1xf32>
    %slice3A_29 = vector.extract_strided_slice %get3A_8 {offsets = [2, 0], sizes = [1, 64], strides = [1, 1]} : vector<8x64xf32> to vector<1x64xf32>
    %sub3A_30 = vector.broadcast %slice3A_28 : vector<256x1xf32> to vector<256x64xf32>
    %sub3A_31 = vector.broadcast %slice3A_29 : vector<1x64xf32> to vector<256x64xf32>
    %sub3A_32 = arith.subf %sub3A_30, %sub3A_31 : vector<256x64xf32>
    %integer_pow3A_33 = arith.mulf %sub3A_32, %sub3A_32 : vector<256x64xf32>
    %add3A_34 = arith.addf %add3A, %integer_pow3A_33 : vector<256x64xf32>
    %iota3A = tpu.iota {dimensions = array<i32: 1>} : vector<256x64xi32>
    %broadcast_in_dim3A = arith.constant 0.000000e+00 : f32
    %broadcast_in_dim3A_35 = vector.broadcast %broadcast_in_dim3A : f32 to vector<256x64xf32>
    %reduce_min3A = arith.constant dense<0x7F800000> : vector<256xf32>
    %reduce_min3A_36 = vector.multi_reduction <minimumf>, %add3A_34, %reduce_min3A [1] : vector<256x64xf32> to vector<256xf32>
    %broadcast_in_dim3A_37 = vector.shape_cast %reduce_min3A_36 : vector<256xf32> to vector<256x1xf32>
    %eq3A = vector.broadcast %broadcast_in_dim3A_37 : vector<256x1xf32> to vector<256x64xf32>
    %eq3A_38 = arith.cmpf oeq, %add3A_34, %eq3A : vector<256x64xf32>
    %jit3A = arith.constant 64 : i32
    %broadcast_in_dim3A_39 = vector.broadcast %jit3A : i32 to vector<256x64xi32>
    %select_n3A = arith.select %eq3A_38, %iota3A, %broadcast_in_dim3A_39 : vector<256x64xi1>, vector<256x64xi32>
    %reduce_min3A_40 = arith.constant dense<2147483647> : vector<256xi32>
    %reduce_min3A_41 = vector.multi_reduction <minsi>, %select_n3A, %reduce_min3A_40 [1] : vector<256x64xi32> to vector<256xi32>
    %broadcast_in_dim3A_42 = vector.shape_cast %reduce_min3A_41 : vector<256xi32> to vector<256x1xi32>
    %eq3A_43 = vector.broadcast %broadcast_in_dim3A_42 : vector<256x1xi32> to vector<256x64xi32>
    %eq3A_44 = arith.cmpi eq, %iota3A, %eq3A_43 : vector<256x64xi32>
    %add3A_45 = arith.constant 9.99999993E-9 : f32
    %add3A_46 = vector.broadcast %add3A_45 : f32 to vector<256x1xf32>
    %add3A_47 = arith.addf %broadcast_in_dim3A_37, %add3A_46 : vector<256x1xf32>
    %div3A = arith.constant 1.000000e+00 : f32
    %div3A_48 = vector.broadcast %div3A : f32 to vector<256x1xf32>
    %div3A_49 = arith.divf %div3A_48, %add3A_47 : vector<256x1xf32>
    %jit3A_50 = arith.constant 0.000000e+00 : f32
    %broadcast_in_dim3A_51 = vector.shape_cast %div3A_49 : vector<256x1xf32> to vector<256x1xf32>
    %broadcast_in_dim3A_52 = vector.broadcast %broadcast_in_dim3A_51 : vector<256x1xf32> to vector<256x64xf32>
    %broadcast_in_dim3A_53 = vector.broadcast %jit3A_50 : f32 to vector<256x64xf32>
    %select_n3A_54 = arith.select %eq3A_44, %broadcast_in_dim3A_52, %broadcast_in_dim3A_53 : vector<256x64xi1>, vector<256x64xf32>
    %add3A_55 = arith.addf %broadcast_in_dim3A_35, %select_n3A_54 : vector<256x64xf32>
    %jit3A_56 = arith.constant 3.400000e+38 : f32
    %broadcast_in_dim3A_57 = vector.broadcast %jit3A_56 : f32 to vector<256x64xf32>
    %select_n3A_58 = arith.select %eq3A_44, %broadcast_in_dim3A_57, %add3A_34 : vector<256x64xi1>, vector<256x64xf32>
    %reduce_min3A_59 = arith.constant dense<0x7F800000> : vector<256xf32>
    %reduce_min3A_60 = vector.multi_reduction <minimumf>, %select_n3A_58, %reduce_min3A_59 [1] : vector<256x64xf32> to vector<256xf32>
    %broadcast_in_dim3A_61 = vector.shape_cast %reduce_min3A_60 : vector<256xf32> to vector<256x1xf32>
    %eq3A_62 = vector.broadcast %broadcast_in_dim3A_61 : vector<256x1xf32> to vector<256x64xf32>
    %eq3A_63 = arith.cmpf oeq, %select_n3A_58, %eq3A_62 : vector<256x64xf32>
    %jit3A_64 = arith.constant 64 : i32
    %broadcast_in_dim3A_65 = vector.broadcast %jit3A_64 : i32 to vector<256x64xi32>
    %select_n3A_66 = arith.select %eq3A_63, %iota3A, %broadcast_in_dim3A_65 : vector<256x64xi1>, vector<256x64xi32>
    %reduce_min3A_67 = arith.constant dense<2147483647> : vector<256xi32>
    %reduce_min3A_68 = vector.multi_reduction <minsi>, %select_n3A_66, %reduce_min3A_67 [1] : vector<256x64xi32> to vector<256xi32>
    %broadcast_in_dim3A_69 = vector.shape_cast %reduce_min3A_68 : vector<256xi32> to vector<256x1xi32>
    %eq3A_70 = vector.broadcast %broadcast_in_dim3A_69 : vector<256x1xi32> to vector<256x64xi32>
    %eq3A_71 = arith.cmpi eq, %iota3A, %eq3A_70 : vector<256x64xi32>
    %add3A_72 = arith.constant 9.99999993E-9 : f32
    %add3A_73 = vector.broadcast %add3A_72 : f32 to vector<256x1xf32>
    %add3A_74 = arith.addf %broadcast_in_dim3A_61, %add3A_73 : vector<256x1xf32>
    %div3A_75 = arith.constant 1.000000e+00 : f32
    %div3A_76 = vector.broadcast %div3A_75 : f32 to vector<256x1xf32>
    %div3A_77 = arith.divf %div3A_76, %add3A_74 : vector<256x1xf32>
    %jit3A_78 = arith.constant 0.000000e+00 : f32
    %broadcast_in_dim3A_79 = vector.shape_cast %div3A_77 : vector<256x1xf32> to vector<256x1xf32>
    %broadcast_in_dim3A_80 = vector.broadcast %broadcast_in_dim3A_79 : vector<256x1xf32> to vector<256x64xf32>
    %broadcast_in_dim3A_81 = vector.broadcast %jit3A_78 : f32 to vector<256x64xf32>
    %select_n3A_82 = arith.select %eq3A_71, %broadcast_in_dim3A_80, %broadcast_in_dim3A_81 : vector<256x64xi1>, vector<256x64xf32>
    %add3A_83 = arith.addf %add3A_55, %select_n3A_82 : vector<256x64xf32>
    %jit3A_84 = arith.constant 3.400000e+38 : f32
    %broadcast_in_dim3A_85 = vector.broadcast %jit3A_84 : f32 to vector<256x64xf32>
    %select_n3A_86 = arith.select %eq3A_71, %broadcast_in_dim3A_85, %select_n3A_58 : vector<256x64xi1>, vector<256x64xf32>
    %reduce_min3A_87 = arith.constant dense<0x7F800000> : vector<256xf32>
    %reduce_min3A_88 = vector.multi_reduction <minimumf>, %select_n3A_86, %reduce_min3A_87 [1] : vector<256x64xf32> to vector<256xf32>
    %broadcast_in_dim3A_89 = vector.shape_cast %reduce_min3A_88 : vector<256xf32> to vector<256x1xf32>
    %eq3A_90 = vector.broadcast %broadcast_in_dim3A_89 : vector<256x1xf32> to vector<256x64xf32>
    %eq3A_91 = arith.cmpf oeq, %select_n3A_86, %eq3A_90 : vector<256x64xf32>
    %jit3A_92 = arith.constant 64 : i32
    %broadcast_in_dim3A_93 = vector.broadcast %jit3A_92 : i32 to vector<256x64xi32>
    %select_n3A_94 = arith.select %eq3A_91, %iota3A, %broadcast_in_dim3A_93 : vector<256x64xi1>, vector<256x64xi32>
    %reduce_min3A_95 = arith.constant dense<2147483647> : vector<256xi32>
    %reduce_min3A_96 = vector.multi_reduction <minsi>, %select_n3A_94, %reduce_min3A_95 [1] : vector<256x64xi32> to vector<256xi32>
    %broadcast_in_dim3A_97 = vector.shape_cast %reduce_min3A_96 : vector<256xi32> to vector<256x1xi32>
    %eq3A_98 = vector.broadcast %broadcast_in_dim3A_97 : vector<256x1xi32> to vector<256x64xi32>
    %eq3A_99 = arith.cmpi eq, %iota3A, %eq3A_98 : vector<256x64xi32>
    %add3A_100 = arith.constant 9.99999993E-9 : f32
    %add3A_101 = vector.broadcast %add3A_100 : f32 to vector<256x1xf32>
    %add3A_102 = arith.addf %broadcast_in_dim3A_89, %add3A_101 : vector<256x1xf32>
    %div3A_103 = arith.constant 1.000000e+00 : f32
    %div3A_104 = vector.broadcast %div3A_103 : f32 to vector<256x1xf32>
    %div3A_105 = arith.divf %div3A_104, %add3A_102 : vector<256x1xf32>
    %jit3A_106 = arith.constant 0.000000e+00 : f32
    %broadcast_in_dim3A_107 = vector.shape_cast %div3A_105 : vector<256x1xf32> to vector<256x1xf32>
    %broadcast_in_dim3A_108 = vector.broadcast %broadcast_in_dim3A_107 : vector<256x1xf32> to vector<256x64xf32>
    %broadcast_in_dim3A_109 = vector.broadcast %jit3A_106 : f32 to vector<256x64xf32>
    %select_n3A_110 = arith.select %eq3A_99, %broadcast_in_dim3A_108, %broadcast_in_dim3A_109 : vector<256x64xi1>, vector<256x64xf32>
    %add3A_111 = arith.addf %add3A_83, %select_n3A_110 : vector<256x64xf32>
    %reduce_sum3A = arith.constant dense<0.000000e+00> : vector<256xf32>
    %reduce_sum3A_112 = vector.multi_reduction <add>, %add3A_111, %reduce_sum3A [1] : vector<256x64xf32> to vector<256xf32>
    %broadcast_in_dim3A_113 = vector.shape_cast %reduce_sum3A_112 : vector<256xf32> to vector<256x1xf32>
    %dot_general3A = arith.constant dense<0.000000e+00> : vector<256x256xf32>
    %dot_general3A_114 = tpu.matmul %add3A_111, %get3A_18, %dot_general3A {dimension_numbers = #tpu.dot_dimension_numbers<[1], [0], [0], [1], [0, 0, 1, 1], [], []>, precision = #tpu.contract_precision<fp32>, transpose_lhs_hint = false} : vector<256x64xf32>, vector<64x256xf32>, vector<256x256xf32> -> vector<256x256xf32>
    %div3A_115 = vector.broadcast %broadcast_in_dim3A_113 : vector<256x1xf32> to vector<256x256xf32>
    %div3A_116 = arith.divf %dot_general3A_114, %div3A_115 : vector<256x256xf32>
    %get3A_117 = arith.constant 0 : index
    %get3A_118 = arith.constant 0 : index
    %get3A_119 = vector.load %arg6[%get3A_117, %get3A_118] : memref<128x256xf32, #tpu.memory_space<vmem>>, vector<128x256xf32>
    %get3A_120 = arith.constant 0 : index
    %get3A_121 = arith.constant 0 : index
    %get3A_122 = vector.load %arg7[%get3A_120, %get3A_121] : memref<256x256xf32, #tpu.memory_space<vmem>>, vector<256x256xf32>
    %get3A_123 = arith.constant 0 : index
    %get3A_124 = vector.load %arg8[%get3A_123] : memref<256xf32, #tpu.memory_space<vmem>>, vector<256xf32>
    %convert_element_type3A = arith.truncf %get3A_13 : vector<256x128xf32> to vector<256x128xbf16>
    %convert_element_type3A_125 = arith.truncf %get3A_119 : vector<128x256xf32> to vector<128x256xbf16>
    %dot_general3A_126 = arith.constant dense<0.000000e+00> : vector<256x256xf32>
    %dot_general3A_127 = tpu.matmul %convert_element_type3A, %convert_element_type3A_125, %dot_general3A_126 {dimension_numbers = #tpu.dot_dimension_numbers<[1], [0], [0], [1], [0, 0, 1, 1], [], []>, transpose_lhs_hint = false} : vector<256x128xbf16>, vector<128x256xbf16>, vector<256x256xf32> -> vector<256x256xf32>
    %convert_element_type3A_128 = arith.truncf %div3A_116 : vector<256x256xf32> to vector<256x256xbf16>
    %convert_element_type3A_129 = arith.truncf %get3A_122 : vector<256x256xf32> to vector<256x256xbf16>
    %dot_general3A_130 = arith.constant dense<0.000000e+00> : vector<256x256xf32>
    %dot_general3A_131 = tpu.matmul %convert_element_type3A_128, %convert_element_type3A_129, %dot_general3A_130 {dimension_numbers = #tpu.dot_dimension_numbers<[1], [0], [0], [1], [0, 0, 1, 1], [], []>, transpose_lhs_hint = false} : vector<256x256xbf16>, vector<256x256xbf16>, vector<256x256xf32> -> vector<256x256xf32>
    %add3A_132 = arith.addf %dot_general3A_127, %dot_general3A_131 : vector<256x256xf32>
    %broadcast_in_dim3A_133 = vector.shape_cast %get3A_124 : vector<256xf32> to vector<1x256xf32>
    %add3A_134 = vector.broadcast %broadcast_in_dim3A_133 : vector<1x256xf32> to vector<256x256xf32>
    %add3A_135 = arith.addf %add3A_132, %add3A_134 : vector<256x256xf32>
    %max3A = arith.constant 0.000000e+00 : f32
    %max3A_136 = vector.broadcast %max3A : f32 to vector<256x256xf32>
    %max3A_137 = arith.maximumf %add3A_135, %max3A_136 : vector<256x256xf32>
    %get3A_138 = arith.constant 0 : index
    %get3A_139 = arith.constant 0 : index
    %get3A_140 = vector.load %arg9[%get3A_138, %get3A_139] : memref<256x256xf32, #tpu.memory_space<vmem>>, vector<256x256xf32>
    %get3A_141 = arith.constant 0 : index
    %get3A_142 = vector.load %arg10[%get3A_141] : memref<256xf32, #tpu.memory_space<vmem>>, vector<256xf32>
    %convert_element_type3A_143 = arith.truncf %max3A_137 : vector<256x256xf32> to vector<256x256xbf16>
    %convert_element_type3A_144 = arith.truncf %get3A_140 : vector<256x256xf32> to vector<256x256xbf16>
    %dot_general3A_145 = arith.constant dense<0.000000e+00> : vector<256x256xf32>
    %dot_general3A_146 = tpu.matmul %convert_element_type3A_143, %convert_element_type3A_144, %dot_general3A_145 {dimension_numbers = #tpu.dot_dimension_numbers<[1], [0], [0], [1], [0, 0, 1, 1], [], []>, transpose_lhs_hint = false} : vector<256x256xbf16>, vector<256x256xbf16>, vector<256x256xf32> -> vector<256x256xf32>
    %broadcast_in_dim3A_147 = vector.shape_cast %get3A_142 : vector<256xf32> to vector<1x256xf32>
    %add3A_148 = vector.broadcast %broadcast_in_dim3A_147 : vector<1x256xf32> to vector<256x256xf32>
    %add3A_149 = arith.addf %dot_general3A_146, %add3A_148 : vector<256x256xf32>
    %max3A_150 = arith.constant 0.000000e+00 : f32
    %max3A_151 = vector.broadcast %max3A_150 : f32 to vector<256x256xf32>
    %max3A_152 = arith.maximumf %add3A_149, %max3A_151 : vector<256x256xf32>
    %swap3A = arith.constant 0 : index
    %swap3A_153 = arith.constant 0 : index
    %swap3A_154 = arith.constant 0 : index
    %swap3A_155 = vector.load %arg11[%swap3A, %swap3A_153, %swap3A_154] : memref<1x256x256xf32, #tpu.memory_space<vmem>>, vector<1x256x256xf32>
    %swap3A_156 = vector.shape_cast %swap3A_155 : vector<1x256x256xf32> to vector<256x256xf32>
    %swap3A_157 = vector.shape_cast %max3A_152 : vector<256x256xf32> to vector<1x256x256xf32>
    tpu.vector_store %arg11[%swap3A, %swap3A_153, %swap3A_154], %swap3A_157 {strides = array<i32>} : memref<1x256x256xf32, #tpu.memory_space<vmem>>, vector<1x256x256xf32>,
    return
  }
  func.func @transform_0(%arg0: i32, %arg1: i32) -> (i32, i32, i32) {
    %c0_i32 = arith.constant 0 : i32
    %c0_i32_0 = arith.constant 0 : i32
    return %arg0, %arg1, %c0_i32 : i32, i32, i32
  }
  func.func @transform_1(%arg0: i32, %arg1: i32) -> (i32, i32, i32) {
    %c0_i32 = arith.constant 0 : i32
    %c0_i32_0 = arith.constant 0 : i32
    %c0_i32_1 = arith.constant 0 : i32
    return %arg0, %c0_i32, %c0_i32_0 : i32, i32, i32
  }
  func.func @transform_2(%arg0: i32, %arg1: i32) -> (i32, i32, i32) {
    %c0_i32 = arith.constant 0 : i32
    %c0_i32_0 = arith.constant 0 : i32
    return %arg0, %arg1, %c0_i32 : i32, i32, i32
  }
  func.func @transform_3(%arg0: i32, %arg1: i32) -> (i32, i32, i32) {
    %c0_i32 = arith.constant 0 : i32
    %c0_i32_0 = arith.constant 0 : i32
    %c0_i32_1 = arith.constant 0 : i32
    return %arg0, %c0_i32, %c0_i32_0 : i32, i32, i32
  }
  func.func @transform_4(%arg0: i32, %arg1: i32) -> (i32, i32) {
    %c0_i32 = arith.constant 0 : i32
    %c0_i32_0 = arith.constant 0 : i32
    %c0_i32_1 = arith.constant 0 : i32
    return %c0_i32, %c0_i32_0 : i32, i32
  }
  func.func @transform_5(%arg0: i32, %arg1: i32) -> (i32, i32) {
    %c0_i32 = arith.constant 0 : i32
    %c0_i32_0 = arith.constant 0 : i32
    %c0_i32_1 = arith.constant 0 : i32
    return %c0_i32, %c0_i32_0 : i32, i32
  }
  func.func @transform_6(%arg0: i32, %arg1: i32) -> i32 {
    %c0_i32 = arith.constant 0 : i32
    %c0_i32_0 = arith.constant 0 : i32
    return %c0_i32 : i32
  }
  func.func @transform_7(%arg0: i32, %arg1: i32) -> (i32, i32) {
    %c0_i32 = arith.constant 0 : i32
    %c0_i32_0 = arith.constant 0 : i32
    %c0_i32_1 = arith.constant 0 : i32
    return %c0_i32, %c0_i32_0 : i32, i32
  }
  func.func @transform_8(%arg0: i32, %arg1: i32) -> i32 {
    %c0_i32 = arith.constant 0 : i32
    %c0_i32_0 = arith.constant 0 : i32
    return %c0_i32 : i32
  }
  func.func @transform_9(%arg0: i32, %arg1: i32) -> (i32, i32, i32) {
    %c0_i32 = arith.constant 0 : i32
    %c0_i32_0 = arith.constant 0 : i32
    return %arg0, %arg1, %c0_i32 : i32, i32, i32
  }
}

module attributes {stable_mosaic.version = 14 : i64} {
  func.func @_fp_kernel(%arg0: i32, %arg1: i32, %arg2: memref<1x512x8xf32, #tpu.memory_space<vmem>>, %arg3: memref<1x8x256xf32, #tpu.memory_space<vmem>>, %arg4: memref<1x512x64xf32, #tpu.memory_space<vmem>>, %arg5: memref<1x256x256xf32, #tpu.memory_space<vmem>>, %arg6: memref<64x256xf32, #tpu.memory_space<vmem>>, %arg7: memref<256x256xf32, #tpu.memory_space<vmem>>, %arg8: memref<256xf32, #tpu.memory_space<vmem>>, %arg9: memref<256x128xf32, #tpu.memory_space<vmem>>, %arg10: memref<128xf32, #tpu.memory_space<vmem>>, %arg11: memref<1x512x128xf32, #tpu.memory_space<vmem>>) attributes {dimension_semantics = [#tpu.dimension_semantics<arbitrary>, #tpu.dimension_semantics<arbitrary>], iteration_bounds = array<i64: 8, 2>, scalar_prefetch = 0 : i64, scratch_operands = 0 : i64, tpu.core_type = #tpu.core_type<tc>, window_params = [{transform_indices = @transform_0, window_bounds = array<i64: 1, 512, 8>}, {transform_indices = @transform_1, window_bounds = array<i64: 1, 8, 256>}, {transform_indices = @transform_2, window_bounds = array<i64: 1, 512, 64>}, {transform_indices = @transform_3, window_bounds = array<i64: 1, 256, 256>}, {pipeline_mode = #tpu.pipeline_mode<synchronous>, transform_indices = @transform_4, window_bounds = array<i64: 64, 256>}, {pipeline_mode = #tpu.pipeline_mode<synchronous>, transform_indices = @transform_5, window_bounds = array<i64: 256, 256>}, {pipeline_mode = #tpu.pipeline_mode<synchronous>, transform_indices = @transform_6, window_bounds = array<i64: 256>}, {pipeline_mode = #tpu.pipeline_mode<synchronous>, transform_indices = @transform_7, window_bounds = array<i64: 256, 128>}, {pipeline_mode = #tpu.pipeline_mode<synchronous>, transform_indices = @transform_8, window_bounds = array<i64: 128>}, {transform_indices = @transform_9, window_bounds = array<i64: 1, 512, 128>}]} {
    %get3A = arith.constant 0 : index
    %get3A_0 = arith.constant 0 : index
    %get3A_1 = arith.constant 0 : index
    %get3A_2 = vector.load %arg2[%get3A, %get3A_0, %get3A_1] : memref<1x512x8xf32, #tpu.memory_space<vmem>>, vector<1x512x8xf32>
    %get3A_3 = vector.shape_cast %get3A_2 : vector<1x512x8xf32> to vector<512x8xf32>
    %get3A_4 = arith.constant 0 : index
    %get3A_5 = arith.constant 0 : index
    %get3A_6 = arith.constant 0 : index
    %get3A_7 = vector.load %arg3[%get3A_4, %get3A_5, %get3A_6] : memref<1x8x256xf32, #tpu.memory_space<vmem>>, vector<1x8x256xf32>
    %get3A_8 = vector.shape_cast %get3A_7 : vector<1x8x256xf32> to vector<8x256xf32>
    %get3A_9 = arith.constant 0 : index
    %get3A_10 = arith.constant 0 : index
    %get3A_11 = arith.constant 0 : index
    %get3A_12 = vector.load %arg4[%get3A_9, %get3A_10, %get3A_11] : memref<1x512x64xf32, #tpu.memory_space<vmem>>, vector<1x512x64xf32>
    %get3A_13 = vector.shape_cast %get3A_12 : vector<1x512x64xf32> to vector<512x64xf32>
    %get3A_14 = arith.constant 0 : index
    %get3A_15 = arith.constant 0 : index
    %get3A_16 = arith.constant 0 : index
    %get3A_17 = vector.load %arg5[%get3A_14, %get3A_15, %get3A_16] : memref<1x256x256xf32, #tpu.memory_space<vmem>>, vector<1x256x256xf32>
    %get3A_18 = vector.shape_cast %get3A_17 : vector<1x256x256xf32> to vector<256x256xf32>
    %slice3A = vector.extract_strided_slice %get3A_3 {offsets = [0, 0], sizes = [512, 1], strides = [1, 1]} : vector<512x8xf32> to vector<512x1xf32>
    %slice3A_19 = vector.extract_strided_slice %get3A_8 {offsets = [0, 0], sizes = [1, 256], strides = [1, 1]} : vector<8x256xf32> to vector<1x256xf32>
    %sub3A = vector.broadcast %slice3A : vector<512x1xf32> to vector<512x256xf32>
    %sub3A_20 = vector.broadcast %slice3A_19 : vector<1x256xf32> to vector<512x256xf32>
    %sub3A_21 = arith.subf %sub3A, %sub3A_20 : vector<512x256xf32>
    %integer_pow3A = arith.mulf %sub3A_21, %sub3A_21 : vector<512x256xf32>
    %slice3A_22 = vector.extract_strided_slice %get3A_3 {offsets = [0, 1], sizes = [512, 1], strides = [1, 1]} : vector<512x8xf32> to vector<512x1xf32>
    %slice3A_23 = vector.extract_strided_slice %get3A_8 {offsets = [1, 0], sizes = [1, 256], strides = [1, 1]} : vector<8x256xf32> to vector<1x256xf32>
    %sub3A_24 = vector.broadcast %slice3A_22 : vector<512x1xf32> to vector<512x256xf32>
    %sub3A_25 = vector.broadcast %slice3A_23 : vector<1x256xf32> to vector<512x256xf32>
    %sub3A_26 = arith.subf %sub3A_24, %sub3A_25 : vector<512x256xf32>
    %integer_pow3A_27 = arith.mulf %sub3A_26, %sub3A_26 : vector<512x256xf32>
    %add3A = arith.addf %integer_pow3A, %integer_pow3A_27 : vector<512x256xf32>
    %slice3A_28 = vector.extract_strided_slice %get3A_3 {offsets = [0, 2], sizes = [512, 1], strides = [1, 1]} : vector<512x8xf32> to vector<512x1xf32>
    %slice3A_29 = vector.extract_strided_slice %get3A_8 {offsets = [2, 0], sizes = [1, 256], strides = [1, 1]} : vector<8x256xf32> to vector<1x256xf32>
    %sub3A_30 = vector.broadcast %slice3A_28 : vector<512x1xf32> to vector<512x256xf32>
    %sub3A_31 = vector.broadcast %slice3A_29 : vector<1x256xf32> to vector<512x256xf32>
    %sub3A_32 = arith.subf %sub3A_30, %sub3A_31 : vector<512x256xf32>
    %integer_pow3A_33 = arith.mulf %sub3A_32, %sub3A_32 : vector<512x256xf32>
    %add3A_34 = arith.addf %add3A, %integer_pow3A_33 : vector<512x256xf32>
    %iota3A = tpu.iota {dimensions = array<i32: 1>} : vector<512x256xi32>
    %broadcast_in_dim3A = arith.constant 0.000000e+00 : f32
    %broadcast_in_dim3A_35 = vector.broadcast %broadcast_in_dim3A : f32 to vector<512x256xf32>
    %reduce_min3A = arith.constant dense<0x7F800000> : vector<512xf32>
    %reduce_min3A_36 = vector.multi_reduction <minimumf>, %add3A_34, %reduce_min3A [1] : vector<512x256xf32> to vector<512xf32>
    %broadcast_in_dim3A_37 = vector.shape_cast %reduce_min3A_36 : vector<512xf32> to vector<512x1xf32>
    %eq3A = vector.broadcast %broadcast_in_dim3A_37 : vector<512x1xf32> to vector<512x256xf32>
    %eq3A_38 = arith.cmpf oeq, %add3A_34, %eq3A : vector<512x256xf32>
    %jit3A = arith.constant 256 : i32
    %broadcast_in_dim3A_39 = vector.broadcast %jit3A : i32 to vector<512x256xi32>
    %select_n3A = arith.select %eq3A_38, %iota3A, %broadcast_in_dim3A_39 : vector<512x256xi1>, vector<512x256xi32>
    %reduce_min3A_40 = arith.constant dense<2147483647> : vector<512xi32>
    %reduce_min3A_41 = vector.multi_reduction <minsi>, %select_n3A, %reduce_min3A_40 [1] : vector<512x256xi32> to vector<512xi32>
    %broadcast_in_dim3A_42 = vector.shape_cast %reduce_min3A_41 : vector<512xi32> to vector<512x1xi32>
    %eq3A_43 = vector.broadcast %broadcast_in_dim3A_42 : vector<512x1xi32> to vector<512x256xi32>
    %eq3A_44 = arith.cmpi eq, %iota3A, %eq3A_43 : vector<512x256xi32>
    %add3A_45 = arith.constant 9.99999993E-9 : f32
    %add3A_46 = vector.broadcast %add3A_45 : f32 to vector<512x1xf32>
    %add3A_47 = arith.addf %broadcast_in_dim3A_37, %add3A_46 : vector<512x1xf32>
    %div3A = arith.constant 1.000000e+00 : f32
    %div3A_48 = vector.broadcast %div3A : f32 to vector<512x1xf32>
    %div3A_49 = arith.divf %div3A_48, %add3A_47 : vector<512x1xf32>
    %jit3A_50 = arith.constant 0.000000e+00 : f32
    %broadcast_in_dim3A_51 = vector.shape_cast %div3A_49 : vector<512x1xf32> to vector<512x1xf32>
    %broadcast_in_dim3A_52 = vector.broadcast %broadcast_in_dim3A_51 : vector<512x1xf32> to vector<512x256xf32>
    %broadcast_in_dim3A_53 = vector.broadcast %jit3A_50 : f32 to vector<512x256xf32>
    %select_n3A_54 = arith.select %eq3A_44, %broadcast_in_dim3A_52, %broadcast_in_dim3A_53 : vector<512x256xi1>, vector<512x256xf32>
    %add3A_55 = arith.addf %broadcast_in_dim3A_35, %select_n3A_54 : vector<512x256xf32>
    %jit3A_56 = arith.constant 3.400000e+38 : f32
    %broadcast_in_dim3A_57 = vector.broadcast %jit3A_56 : f32 to vector<512x256xf32>
    %select_n3A_58 = arith.select %eq3A_44, %broadcast_in_dim3A_57, %add3A_34 : vector<512x256xi1>, vector<512x256xf32>
    %reduce_min3A_59 = arith.constant dense<0x7F800000> : vector<512xf32>
    %reduce_min3A_60 = vector.multi_reduction <minimumf>, %select_n3A_58, %reduce_min3A_59 [1] : vector<512x256xf32> to vector<512xf32>
    %broadcast_in_dim3A_61 = vector.shape_cast %reduce_min3A_60 : vector<512xf32> to vector<512x1xf32>
    %eq3A_62 = vector.broadcast %broadcast_in_dim3A_61 : vector<512x1xf32> to vector<512x256xf32>
    %eq3A_63 = arith.cmpf oeq, %select_n3A_58, %eq3A_62 : vector<512x256xf32>
    %jit3A_64 = arith.constant 256 : i32
    %broadcast_in_dim3A_65 = vector.broadcast %jit3A_64 : i32 to vector<512x256xi32>
    %select_n3A_66 = arith.select %eq3A_63, %iota3A, %broadcast_in_dim3A_65 : vector<512x256xi1>, vector<512x256xi32>
    %reduce_min3A_67 = arith.constant dense<2147483647> : vector<512xi32>
    %reduce_min3A_68 = vector.multi_reduction <minsi>, %select_n3A_66, %reduce_min3A_67 [1] : vector<512x256xi32> to vector<512xi32>
    %broadcast_in_dim3A_69 = vector.shape_cast %reduce_min3A_68 : vector<512xi32> to vector<512x1xi32>
    %eq3A_70 = vector.broadcast %broadcast_in_dim3A_69 : vector<512x1xi32> to vector<512x256xi32>
    %eq3A_71 = arith.cmpi eq, %iota3A, %eq3A_70 : vector<512x256xi32>
    %add3A_72 = arith.constant 9.99999993E-9 : f32
    %add3A_73 = vector.broadcast %add3A_72 : f32 to vector<512x1xf32>
    %add3A_74 = arith.addf %broadcast_in_dim3A_61, %add3A_73 : vector<512x1xf32>
    %div3A_75 = arith.constant 1.000000e+00 : f32
    %div3A_76 = vector.broadcast %div3A_75 : f32 to vector<512x1xf32>
    %div3A_77 = arith.divf %div3A_76, %add3A_74 : vector<512x1xf32>
    %jit3A_78 = arith.constant 0.000000e+00 : f32
    %broadcast_in_dim3A_79 = vector.shape_cast %div3A_77 : vector<512x1xf32> to vector<512x1xf32>
    %broadcast_in_dim3A_80 = vector.broadcast %broadcast_in_dim3A_79 : vector<512x1xf32> to vector<512x256xf32>
    %broadcast_in_dim3A_81 = vector.broadcast %jit3A_78 : f32 to vector<512x256xf32>
    %select_n3A_82 = arith.select %eq3A_71, %broadcast_in_dim3A_80, %broadcast_in_dim3A_81 : vector<512x256xi1>, vector<512x256xf32>
    %add3A_83 = arith.addf %add3A_55, %select_n3A_82 : vector<512x256xf32>
    %jit3A_84 = arith.constant 3.400000e+38 : f32
    %broadcast_in_dim3A_85 = vector.broadcast %jit3A_84 : f32 to vector<512x256xf32>
    %select_n3A_86 = arith.select %eq3A_71, %broadcast_in_dim3A_85, %select_n3A_58 : vector<512x256xi1>, vector<512x256xf32>
    %reduce_min3A_87 = arith.constant dense<0x7F800000> : vector<512xf32>
    %reduce_min3A_88 = vector.multi_reduction <minimumf>, %select_n3A_86, %reduce_min3A_87 [1] : vector<512x256xf32> to vector<512xf32>
    %broadcast_in_dim3A_89 = vector.shape_cast %reduce_min3A_88 : vector<512xf32> to vector<512x1xf32>
    %eq3A_90 = vector.broadcast %broadcast_in_dim3A_89 : vector<512x1xf32> to vector<512x256xf32>
    %eq3A_91 = arith.cmpf oeq, %select_n3A_86, %eq3A_90 : vector<512x256xf32>
    %jit3A_92 = arith.constant 256 : i32
    %broadcast_in_dim3A_93 = vector.broadcast %jit3A_92 : i32 to vector<512x256xi32>
    %select_n3A_94 = arith.select %eq3A_91, %iota3A, %broadcast_in_dim3A_93 : vector<512x256xi1>, vector<512x256xi32>
    %reduce_min3A_95 = arith.constant dense<2147483647> : vector<512xi32>
    %reduce_min3A_96 = vector.multi_reduction <minsi>, %select_n3A_94, %reduce_min3A_95 [1] : vector<512x256xi32> to vector<512xi32>
    %broadcast_in_dim3A_97 = vector.shape_cast %reduce_min3A_96 : vector<512xi32> to vector<512x1xi32>
    %eq3A_98 = vector.broadcast %broadcast_in_dim3A_97 : vector<512x1xi32> to vector<512x256xi32>
    %eq3A_99 = arith.cmpi eq, %iota3A, %eq3A_98 : vector<512x256xi32>
    %add3A_100 = arith.constant 9.99999993E-9 : f32
    %add3A_101 = vector.broadcast %add3A_100 : f32 to vector<512x1xf32>
    %add3A_102 = arith.addf %broadcast_in_dim3A_89, %add3A_101 : vector<512x1xf32>
    %div3A_103 = arith.constant 1.000000e+00 : f32
    %div3A_104 = vector.broadcast %div3A_103 : f32 to vector<512x1xf32>
    %div3A_105 = arith.divf %div3A_104, %add3A_102 : vector<512x1xf32>
    %jit3A_106 = arith.constant 0.000000e+00 : f32
    %broadcast_in_dim3A_107 = vector.shape_cast %div3A_105 : vector<512x1xf32> to vector<512x1xf32>
    %broadcast_in_dim3A_108 = vector.broadcast %broadcast_in_dim3A_107 : vector<512x1xf32> to vector<512x256xf32>
    %broadcast_in_dim3A_109 = vector.broadcast %jit3A_106 : f32 to vector<512x256xf32>
    %select_n3A_110 = arith.select %eq3A_99, %broadcast_in_dim3A_108, %broadcast_in_dim3A_109 : vector<512x256xi1>, vector<512x256xf32>
    %add3A_111 = arith.addf %add3A_83, %select_n3A_110 : vector<512x256xf32>
    %reduce_sum3A = arith.constant dense<0.000000e+00> : vector<512xf32>
    %reduce_sum3A_112 = vector.multi_reduction <add>, %add3A_111, %reduce_sum3A [1] : vector<512x256xf32> to vector<512xf32>
    %broadcast_in_dim3A_113 = vector.shape_cast %reduce_sum3A_112 : vector<512xf32> to vector<512x1xf32>
    %dot_general3A = arith.constant dense<0.000000e+00> : vector<512x256xf32>
    %dot_general3A_114 = tpu.matmul %add3A_111, %get3A_18, %dot_general3A {dimension_numbers = #tpu.dot_dimension_numbers<[1], [0], [0], [1], [0, 0, 1, 1], [], []>, precision = #tpu.contract_precision<fp32>, transpose_lhs_hint = false} : vector<512x256xf32>, vector<256x256xf32>, vector<512x256xf32> -> vector<512x256xf32>
    %div3A_115 = vector.broadcast %broadcast_in_dim3A_113 : vector<512x1xf32> to vector<512x256xf32>
    %div3A_116 = arith.divf %dot_general3A_114, %div3A_115 : vector<512x256xf32>
    %get3A_117 = arith.constant 0 : index
    %get3A_118 = arith.constant 0 : index
    %get3A_119 = vector.load %arg6[%get3A_117, %get3A_118] : memref<64x256xf32, #tpu.memory_space<vmem>>, vector<64x256xf32>
    %get3A_120 = arith.constant 0 : index
    %get3A_121 = arith.constant 0 : index
    %get3A_122 = vector.load %arg7[%get3A_120, %get3A_121] : memref<256x256xf32, #tpu.memory_space<vmem>>, vector<256x256xf32>
    %get3A_123 = arith.constant 0 : index
    %get3A_124 = vector.load %arg8[%get3A_123] : memref<256xf32, #tpu.memory_space<vmem>>, vector<256xf32>
    %convert_element_type3A = arith.truncf %get3A_13 : vector<512x64xf32> to vector<512x64xbf16>
    %convert_element_type3A_125 = arith.truncf %get3A_119 : vector<64x256xf32> to vector<64x256xbf16>
    %dot_general3A_126 = arith.constant dense<0.000000e+00> : vector<512x256xf32>
    %dot_general3A_127 = tpu.matmul %convert_element_type3A, %convert_element_type3A_125, %dot_general3A_126 {dimension_numbers = #tpu.dot_dimension_numbers<[1], [0], [0], [1], [0, 0, 1, 1], [], []>, transpose_lhs_hint = false} : vector<512x64xbf16>, vector<64x256xbf16>, vector<512x256xf32> -> vector<512x256xf32>
    %convert_element_type3A_128 = arith.truncf %div3A_116 : vector<512x256xf32> to vector<512x256xbf16>
    %convert_element_type3A_129 = arith.truncf %get3A_122 : vector<256x256xf32> to vector<256x256xbf16>
    %dot_general3A_130 = arith.constant dense<0.000000e+00> : vector<512x256xf32>
    %dot_general3A_131 = tpu.matmul %convert_element_type3A_128, %convert_element_type3A_129, %dot_general3A_130 {dimension_numbers = #tpu.dot_dimension_numbers<[1], [0], [0], [1], [0, 0, 1, 1], [], []>, transpose_lhs_hint = false} : vector<512x256xbf16>, vector<256x256xbf16>, vector<512x256xf32> -> vector<512x256xf32>
    %add3A_132 = arith.addf %dot_general3A_127, %dot_general3A_131 : vector<512x256xf32>
    %broadcast_in_dim3A_133 = vector.shape_cast %get3A_124 : vector<256xf32> to vector<1x256xf32>
    %add3A_134 = vector.broadcast %broadcast_in_dim3A_133 : vector<1x256xf32> to vector<512x256xf32>
    %add3A_135 = arith.addf %add3A_132, %add3A_134 : vector<512x256xf32>
    %max3A = arith.constant 0.000000e+00 : f32
    %max3A_136 = vector.broadcast %max3A : f32 to vector<512x256xf32>
    %max3A_137 = arith.maximumf %add3A_135, %max3A_136 : vector<512x256xf32>
    %get3A_138 = arith.constant 0 : index
    %get3A_139 = arith.constant 0 : index
    %get3A_140 = vector.load %arg9[%get3A_138, %get3A_139] : memref<256x128xf32, #tpu.memory_space<vmem>>, vector<256x128xf32>
    %get3A_141 = arith.constant 0 : index
    %get3A_142 = vector.load %arg10[%get3A_141] : memref<128xf32, #tpu.memory_space<vmem>>, vector<128xf32>
    %convert_element_type3A_143 = arith.truncf %max3A_137 : vector<512x256xf32> to vector<512x256xbf16>
    %convert_element_type3A_144 = arith.truncf %get3A_140 : vector<256x128xf32> to vector<256x128xbf16>
    %dot_general3A_145 = arith.constant dense<0.000000e+00> : vector<512x128xf32>
    %dot_general3A_146 = tpu.matmul %convert_element_type3A_143, %convert_element_type3A_144, %dot_general3A_145 {dimension_numbers = #tpu.dot_dimension_numbers<[1], [0], [0], [1], [0, 0, 1, 1], [], []>, transpose_lhs_hint = false} : vector<512x256xbf16>, vector<256x128xbf16>, vector<512x128xf32> -> vector<512x128xf32>
    %broadcast_in_dim3A_147 = vector.shape_cast %get3A_142 : vector<128xf32> to vector<1x128xf32>
    %add3A_148 = vector.broadcast %broadcast_in_dim3A_147 : vector<1x128xf32> to vector<512x128xf32>
    %add3A_149 = arith.addf %dot_general3A_146, %add3A_148 : vector<512x128xf32>
    %max3A_150 = arith.constant 0.000000e+00 : f32
    %max3A_151 = vector.broadcast %max3A_150 : f32 to vector<512x128xf32>
    %max3A_152 = arith.maximumf %add3A_149, %max3A_151 : vector<512x128xf32>
    %swap3A = arith.constant 0 : index
    %swap3A_153 = arith.constant 0 : index
    %swap3A_154 = arith.constant 0 : index
    %swap3A_155 = vector.load %arg11[%swap3A, %swap3A_153, %swap3A_154] : memref<1x512x128xf32, #tpu.memory_space<vmem>>, vector<1x512x128xf32>
    %swap3A_156 = vector.shape_cast %swap3A_155 : vector<1x512x128xf32> to vector<512x128xf32>
    %swap3A_157 = vector.shape_cast %max3A_152 : vector<512x128xf32> to vector<1x512x128xf32>
    tpu.vector_store %arg11[%swap3A, %swap3A_153, %swap3A_154], %swap3A_157 {strides = array<i32>} : memref<1x512x128xf32, #tpu.memory_space<vmem>>, vector<1x512x128xf32>,
    return
  }
  func.func @transform_0(%arg0: i32, %arg1: i32) -> (i32, i32, i32) {
    %c0_i32 = arith.constant 0 : i32
    %c0_i32_0 = arith.constant 0 : i32
    return %arg0, %arg1, %c0_i32 : i32, i32, i32
  }
  func.func @transform_1(%arg0: i32, %arg1: i32) -> (i32, i32, i32) {
    %c0_i32 = arith.constant 0 : i32
    %c0_i32_0 = arith.constant 0 : i32
    %c0_i32_1 = arith.constant 0 : i32
    return %arg0, %c0_i32, %c0_i32_0 : i32, i32, i32
  }
  func.func @transform_2(%arg0: i32, %arg1: i32) -> (i32, i32, i32) {
    %c0_i32 = arith.constant 0 : i32
    %c0_i32_0 = arith.constant 0 : i32
    return %arg0, %arg1, %c0_i32 : i32, i32, i32
  }
  func.func @transform_3(%arg0: i32, %arg1: i32) -> (i32, i32, i32) {
    %c0_i32 = arith.constant 0 : i32
    %c0_i32_0 = arith.constant 0 : i32
    %c0_i32_1 = arith.constant 0 : i32
    return %arg0, %c0_i32, %c0_i32_0 : i32, i32, i32
  }
  func.func @transform_4(%arg0: i32, %arg1: i32) -> (i32, i32) {
    %c0_i32 = arith.constant 0 : i32
    %c0_i32_0 = arith.constant 0 : i32
    %c0_i32_1 = arith.constant 0 : i32
    return %c0_i32, %c0_i32_0 : i32, i32
  }
  func.func @transform_5(%arg0: i32, %arg1: i32) -> (i32, i32) {
    %c0_i32 = arith.constant 0 : i32
    %c0_i32_0 = arith.constant 0 : i32
    %c0_i32_1 = arith.constant 0 : i32
    return %c0_i32, %c0_i32_0 : i32, i32
  }
  func.func @transform_6(%arg0: i32, %arg1: i32) -> i32 {
    %c0_i32 = arith.constant 0 : i32
    %c0_i32_0 = arith.constant 0 : i32
    return %c0_i32 : i32
  }
  func.func @transform_7(%arg0: i32, %arg1: i32) -> (i32, i32) {
    %c0_i32 = arith.constant 0 : i32
    %c0_i32_0 = arith.constant 0 : i32
    %c0_i32_1 = arith.constant 0 : i32
    return %c0_i32, %c0_i32_0 : i32, i32
  }
  func.func @transform_8(%arg0: i32, %arg1: i32) -> i32 {
    %c0_i32 = arith.constant 0 : i32
    %c0_i32_0 = arith.constant 0 : i32
    return %c0_i32 : i32
  }
  func.func @transform_9(%arg0: i32, %arg1: i32) -> (i32, i32, i32) {
    %c0_i32 = arith.constant 0 : i32
    %c0_i32_0 = arith.constant 0 : i32
    return %arg0, %arg1, %c0_i32 : i32, i32, i32
  }
}

module attributes {stable_mosaic.version = 14 : i64} {
  func.func @_fp_kernel(%arg0: i32, %arg1: i32, %arg2: memref<1x512x8xf32, #tpu.memory_space<vmem>>, %arg3: memref<1x8x1024xf32, #tpu.memory_space<vmem>>, %arg4: memref<1x512x16xf32, #tpu.memory_space<vmem>>, %arg5: memref<1x1024x128xf32, #tpu.memory_space<vmem>>, %arg6: memref<16x128xf32, #tpu.memory_space<vmem>>, %arg7: memref<128x128xf32, #tpu.memory_space<vmem>>, %arg8: memref<128xf32, #tpu.memory_space<vmem>>, %arg9: memref<128x128xf32, #tpu.memory_space<vmem>>, %arg10: memref<128xf32, #tpu.memory_space<vmem>>, %arg11: memref<128x128xf32, #tpu.memory_space<vmem>>, %arg12: memref<128xf32, #tpu.memory_space<vmem>>, %arg13: memref<128x128xf32, #tpu.memory_space<vmem>>, %arg14: memref<128xf32, #tpu.memory_space<vmem>>, %arg15: memref<128x128xf32, #tpu.memory_space<vmem>>, %arg16: memref<128xf32, #tpu.memory_space<vmem>>, %arg17: memref<128x64xf32, #tpu.memory_space<vmem>>, %arg18: memref<64xf32, #tpu.memory_space<vmem>>, %arg19: memref<64x13xf32, #tpu.memory_space<vmem>>, %arg20: memref<13xf32, #tpu.memory_space<vmem>>, %arg21: memref<1x512x128xf32, #tpu.memory_space<vmem>>, %arg22: memref<1x512x13xf32, #tpu.memory_space<vmem>>) attributes {dimension_semantics = [#tpu.dimension_semantics<arbitrary>, #tpu.dimension_semantics<arbitrary>], iteration_bounds = array<i64: 8, 8>, scalar_prefetch = 0 : i64, scratch_operands = 0 : i64, tpu.core_type = #tpu.core_type<tc>, window_params = [{transform_indices = @transform_0, window_bounds = array<i64: 1, 512, 8>}, {transform_indices = @transform_1, window_bounds = array<i64: 1, 8, 1024>}, {transform_indices = @transform_2, window_bounds = array<i64: 1, 512, 16>}, {transform_indices = @transform_3, window_bounds = array<i64: 1, 1024, 128>}, {pipeline_mode = #tpu.pipeline_mode<synchronous>, transform_indices = @transform_4, window_bounds = array<i64: 16, 128>}, {pipeline_mode = #tpu.pipeline_mode<synchronous>, transform_indices = @transform_5, window_bounds = array<i64: 128, 128>}, {pipeline_mode = #tpu.pipeline_mode<synchronous>, transform_indices = @transform_6, window_bounds = array<i64: 128>}, {pipeline_mode = #tpu.pipeline_mode<synchronous>, transform_indices = @transform_7, window_bounds = array<i64: 128, 128>}, {pipeline_mode = #tpu.pipeline_mode<synchronous>, transform_indices = @transform_8, window_bounds = array<i64: 128>}, {pipeline_mode = #tpu.pipeline_mode<synchronous>, transform_indices = @transform_9, window_bounds = array<i64: 128, 128>}, {pipeline_mode = #tpu.pipeline_mode<synchronous>, transform_indices = @transform_10, window_bounds = array<i64: 128>}, {pipeline_mode = #tpu.pipeline_mode<synchronous>, transform_indices = @transform_11, window_bounds = array<i64: 128, 128>}, {pipeline_mode = #tpu.pipeline_mode<synchronous>, transform_indices = @transform_12, window_bounds = array<i64: 128>}, {pipeline_mode = #tpu.pipeline_mode<synchronous>, transform_indices = @transform_13, window_bounds = array<i64: 128, 128>}, {pipeline_mode = #tpu.pipeline_mode<synchronous>, transform_indices = @transform_14, window_bounds = array<i64: 128>}, {pipeline_mode = #tpu.pipeline_mode<synchronous>, transform_indices = @transform_15, window_bounds = array<i64: 128, 64>}, {pipeline_mode = #tpu.pipeline_mode<synchronous>, transform_indices = @transform_16, window_bounds = array<i64: 64>}, {pipeline_mode = #tpu.pipeline_mode<synchronous>, transform_indices = @transform_17, window_bounds = array<i64: 64, 13>}, {pipeline_mode = #tpu.pipeline_mode<synchronous>, transform_indices = @transform_18, window_bounds = array<i64: 13>}, {transform_indices = @transform_19, window_bounds = array<i64: 1, 512, 128>}, {transform_indices = @transform_20, window_bounds = array<i64: 1, 512, 13>}]} {
    %get3A = arith.constant 0 : index
    %get3A_0 = arith.constant 0 : index
    %get3A_1 = arith.constant 0 : index
    %get3A_2 = vector.load %arg2[%get3A, %get3A_0, %get3A_1] : memref<1x512x8xf32, #tpu.memory_space<vmem>>, vector<1x512x8xf32>
    %get3A_3 = vector.shape_cast %get3A_2 : vector<1x512x8xf32> to vector<512x8xf32>
    %get3A_4 = arith.constant 0 : index
    %get3A_5 = arith.constant 0 : index
    %get3A_6 = arith.constant 0 : index
    %get3A_7 = vector.load %arg3[%get3A_4, %get3A_5, %get3A_6] : memref<1x8x1024xf32, #tpu.memory_space<vmem>>, vector<1x8x1024xf32>
    %get3A_8 = vector.shape_cast %get3A_7 : vector<1x8x1024xf32> to vector<8x1024xf32>
    %get3A_9 = arith.constant 0 : index
    %get3A_10 = arith.constant 0 : index
    %get3A_11 = arith.constant 0 : index
    %get3A_12 = vector.load %arg4[%get3A_9, %get3A_10, %get3A_11] : memref<1x512x16xf32, #tpu.memory_space<vmem>>, vector<1x512x16xf32>
    %get3A_13 = vector.shape_cast %get3A_12 : vector<1x512x16xf32> to vector<512x16xf32>
    %get3A_14 = arith.constant 0 : index
    %get3A_15 = arith.constant 0 : index
    %get3A_16 = arith.constant 0 : index
    %get3A_17 = vector.load %arg5[%get3A_14, %get3A_15, %get3A_16] : memref<1x1024x128xf32, #tpu.memory_space<vmem>>, vector<1x1024x128xf32>
    %get3A_18 = vector.shape_cast %get3A_17 : vector<1x1024x128xf32> to vector<1024x128xf32>
    %slice3A = vector.extract_strided_slice %get3A_3 {offsets = [0, 0], sizes = [512, 1], strides = [1, 1]} : vector<512x8xf32> to vector<512x1xf32>
    %slice3A_19 = vector.extract_strided_slice %get3A_8 {offsets = [0, 0], sizes = [1, 1024], strides = [1, 1]} : vector<8x1024xf32> to vector<1x1024xf32>
    %sub3A = vector.broadcast %slice3A : vector<512x1xf32> to vector<512x1024xf32>
    %sub3A_20 = vector.broadcast %slice3A_19 : vector<1x1024xf32> to vector<512x1024xf32>
    %sub3A_21 = arith.subf %sub3A, %sub3A_20 : vector<512x1024xf32>
    %integer_pow3A = arith.mulf %sub3A_21, %sub3A_21 : vector<512x1024xf32>
    %slice3A_22 = vector.extract_strided_slice %get3A_3 {offsets = [0, 1], sizes = [512, 1], strides = [1, 1]} : vector<512x8xf32> to vector<512x1xf32>
    %slice3A_23 = vector.extract_strided_slice %get3A_8 {offsets = [1, 0], sizes = [1, 1024], strides = [1, 1]} : vector<8x1024xf32> to vector<1x1024xf32>
    %sub3A_24 = vector.broadcast %slice3A_22 : vector<512x1xf32> to vector<512x1024xf32>
    %sub3A_25 = vector.broadcast %slice3A_23 : vector<1x1024xf32> to vector<512x1024xf32>
    %sub3A_26 = arith.subf %sub3A_24, %sub3A_25 : vector<512x1024xf32>
    %integer_pow3A_27 = arith.mulf %sub3A_26, %sub3A_26 : vector<512x1024xf32>
    %add3A = arith.addf %integer_pow3A, %integer_pow3A_27 : vector<512x1024xf32>
    %slice3A_28 = vector.extract_strided_slice %get3A_3 {offsets = [0, 2], sizes = [512, 1], strides = [1, 1]} : vector<512x8xf32> to vector<512x1xf32>
    %slice3A_29 = vector.extract_strided_slice %get3A_8 {offsets = [2, 0], sizes = [1, 1024], strides = [1, 1]} : vector<8x1024xf32> to vector<1x1024xf32>
    %sub3A_30 = vector.broadcast %slice3A_28 : vector<512x1xf32> to vector<512x1024xf32>
    %sub3A_31 = vector.broadcast %slice3A_29 : vector<1x1024xf32> to vector<512x1024xf32>
    %sub3A_32 = arith.subf %sub3A_30, %sub3A_31 : vector<512x1024xf32>
    %integer_pow3A_33 = arith.mulf %sub3A_32, %sub3A_32 : vector<512x1024xf32>
    %add3A_34 = arith.addf %add3A, %integer_pow3A_33 : vector<512x1024xf32>
    %iota3A = tpu.iota {dimensions = array<i32: 1>} : vector<512x1024xi32>
    %broadcast_in_dim3A = arith.constant 0.000000e+00 : f32
    %broadcast_in_dim3A_35 = vector.broadcast %broadcast_in_dim3A : f32 to vector<512x1024xf32>
    %reduce_min3A = arith.constant dense<0x7F800000> : vector<512xf32>
    %reduce_min3A_36 = vector.multi_reduction <minimumf>, %add3A_34, %reduce_min3A [1] : vector<512x1024xf32> to vector<512xf32>
    %broadcast_in_dim3A_37 = vector.shape_cast %reduce_min3A_36 : vector<512xf32> to vector<512x1xf32>
    %eq3A = vector.broadcast %broadcast_in_dim3A_37 : vector<512x1xf32> to vector<512x1024xf32>
    %eq3A_38 = arith.cmpf oeq, %add3A_34, %eq3A : vector<512x1024xf32>
    %jit3A = arith.constant 1024 : i32
    %broadcast_in_dim3A_39 = vector.broadcast %jit3A : i32 to vector<512x1024xi32>
    %select_n3A = arith.select %eq3A_38, %iota3A, %broadcast_in_dim3A_39 : vector<512x1024xi1>, vector<512x1024xi32>
    %reduce_min3A_40 = arith.constant dense<2147483647> : vector<512xi32>
    %reduce_min3A_41 = vector.multi_reduction <minsi>, %select_n3A, %reduce_min3A_40 [1] : vector<512x1024xi32> to vector<512xi32>
    %broadcast_in_dim3A_42 = vector.shape_cast %reduce_min3A_41 : vector<512xi32> to vector<512x1xi32>
    %eq3A_43 = vector.broadcast %broadcast_in_dim3A_42 : vector<512x1xi32> to vector<512x1024xi32>
    %eq3A_44 = arith.cmpi eq, %iota3A, %eq3A_43 : vector<512x1024xi32>
    %add3A_45 = arith.constant 9.99999993E-9 : f32
    %add3A_46 = vector.broadcast %add3A_45 : f32 to vector<512x1xf32>
    %add3A_47 = arith.addf %broadcast_in_dim3A_37, %add3A_46 : vector<512x1xf32>
    %div3A = arith.constant 1.000000e+00 : f32
    %div3A_48 = vector.broadcast %div3A : f32 to vector<512x1xf32>
    %div3A_49 = arith.divf %div3A_48, %add3A_47 : vector<512x1xf32>
    %jit3A_50 = arith.constant 0.000000e+00 : f32
    %broadcast_in_dim3A_51 = vector.shape_cast %div3A_49 : vector<512x1xf32> to vector<512x1xf32>
    %broadcast_in_dim3A_52 = vector.broadcast %broadcast_in_dim3A_51 : vector<512x1xf32> to vector<512x1024xf32>
    %broadcast_in_dim3A_53 = vector.broadcast %jit3A_50 : f32 to vector<512x1024xf32>
    %select_n3A_54 = arith.select %eq3A_44, %broadcast_in_dim3A_52, %broadcast_in_dim3A_53 : vector<512x1024xi1>, vector<512x1024xf32>
    %add3A_55 = arith.addf %broadcast_in_dim3A_35, %select_n3A_54 : vector<512x1024xf32>
    %jit3A_56 = arith.constant 3.400000e+38 : f32
    %broadcast_in_dim3A_57 = vector.broadcast %jit3A_56 : f32 to vector<512x1024xf32>
    %select_n3A_58 = arith.select %eq3A_44, %broadcast_in_dim3A_57, %add3A_34 : vector<512x1024xi1>, vector<512x1024xf32>
    %reduce_min3A_59 = arith.constant dense<0x7F800000> : vector<512xf32>
    %reduce_min3A_60 = vector.multi_reduction <minimumf>, %select_n3A_58, %reduce_min3A_59 [1] : vector<512x1024xf32> to vector<512xf32>
    %broadcast_in_dim3A_61 = vector.shape_cast %reduce_min3A_60 : vector<512xf32> to vector<512x1xf32>
    %eq3A_62 = vector.broadcast %broadcast_in_dim3A_61 : vector<512x1xf32> to vector<512x1024xf32>
    %eq3A_63 = arith.cmpf oeq, %select_n3A_58, %eq3A_62 : vector<512x1024xf32>
    %jit3A_64 = arith.constant 1024 : i32
    %broadcast_in_dim3A_65 = vector.broadcast %jit3A_64 : i32 to vector<512x1024xi32>
    %select_n3A_66 = arith.select %eq3A_63, %iota3A, %broadcast_in_dim3A_65 : vector<512x1024xi1>, vector<512x1024xi32>
    %reduce_min3A_67 = arith.constant dense<2147483647> : vector<512xi32>
    %reduce_min3A_68 = vector.multi_reduction <minsi>, %select_n3A_66, %reduce_min3A_67 [1] : vector<512x1024xi32> to vector<512xi32>
    %broadcast_in_dim3A_69 = vector.shape_cast %reduce_min3A_68 : vector<512xi32> to vector<512x1xi32>
    %eq3A_70 = vector.broadcast %broadcast_in_dim3A_69 : vector<512x1xi32> to vector<512x1024xi32>
    %eq3A_71 = arith.cmpi eq, %iota3A, %eq3A_70 : vector<512x1024xi32>
    %add3A_72 = arith.constant 9.99999993E-9 : f32
    %add3A_73 = vector.broadcast %add3A_72 : f32 to vector<512x1xf32>
    %add3A_74 = arith.addf %broadcast_in_dim3A_61, %add3A_73 : vector<512x1xf32>
    %div3A_75 = arith.constant 1.000000e+00 : f32
    %div3A_76 = vector.broadcast %div3A_75 : f32 to vector<512x1xf32>
    %div3A_77 = arith.divf %div3A_76, %add3A_74 : vector<512x1xf32>
    %jit3A_78 = arith.constant 0.000000e+00 : f32
    %broadcast_in_dim3A_79 = vector.shape_cast %div3A_77 : vector<512x1xf32> to vector<512x1xf32>
    %broadcast_in_dim3A_80 = vector.broadcast %broadcast_in_dim3A_79 : vector<512x1xf32> to vector<512x1024xf32>
    %broadcast_in_dim3A_81 = vector.broadcast %jit3A_78 : f32 to vector<512x1024xf32>
    %select_n3A_82 = arith.select %eq3A_71, %broadcast_in_dim3A_80, %broadcast_in_dim3A_81 : vector<512x1024xi1>, vector<512x1024xf32>
    %add3A_83 = arith.addf %add3A_55, %select_n3A_82 : vector<512x1024xf32>
    %jit3A_84 = arith.constant 3.400000e+38 : f32
    %broadcast_in_dim3A_85 = vector.broadcast %jit3A_84 : f32 to vector<512x1024xf32>
    %select_n3A_86 = arith.select %eq3A_71, %broadcast_in_dim3A_85, %select_n3A_58 : vector<512x1024xi1>, vector<512x1024xf32>
    %reduce_min3A_87 = arith.constant dense<0x7F800000> : vector<512xf32>
    %reduce_min3A_88 = vector.multi_reduction <minimumf>, %select_n3A_86, %reduce_min3A_87 [1] : vector<512x1024xf32> to vector<512xf32>
    %broadcast_in_dim3A_89 = vector.shape_cast %reduce_min3A_88 : vector<512xf32> to vector<512x1xf32>
    %eq3A_90 = vector.broadcast %broadcast_in_dim3A_89 : vector<512x1xf32> to vector<512x1024xf32>
    %eq3A_91 = arith.cmpf oeq, %select_n3A_86, %eq3A_90 : vector<512x1024xf32>
    %jit3A_92 = arith.constant 1024 : i32
    %broadcast_in_dim3A_93 = vector.broadcast %jit3A_92 : i32 to vector<512x1024xi32>
    %select_n3A_94 = arith.select %eq3A_91, %iota3A, %broadcast_in_dim3A_93 : vector<512x1024xi1>, vector<512x1024xi32>
    %reduce_min3A_95 = arith.constant dense<2147483647> : vector<512xi32>
    %reduce_min3A_96 = vector.multi_reduction <minsi>, %select_n3A_94, %reduce_min3A_95 [1] : vector<512x1024xi32> to vector<512xi32>
    %broadcast_in_dim3A_97 = vector.shape_cast %reduce_min3A_96 : vector<512xi32> to vector<512x1xi32>
    %eq3A_98 = vector.broadcast %broadcast_in_dim3A_97 : vector<512x1xi32> to vector<512x1024xi32>
    %eq3A_99 = arith.cmpi eq, %iota3A, %eq3A_98 : vector<512x1024xi32>
    %add3A_100 = arith.constant 9.99999993E-9 : f32
    %add3A_101 = vector.broadcast %add3A_100 : f32 to vector<512x1xf32>
    %add3A_102 = arith.addf %broadcast_in_dim3A_89, %add3A_101 : vector<512x1xf32>
    %div3A_103 = arith.constant 1.000000e+00 : f32
    %div3A_104 = vector.broadcast %div3A_103 : f32 to vector<512x1xf32>
    %div3A_105 = arith.divf %div3A_104, %add3A_102 : vector<512x1xf32>
    %jit3A_106 = arith.constant 0.000000e+00 : f32
    %broadcast_in_dim3A_107 = vector.shape_cast %div3A_105 : vector<512x1xf32> to vector<512x1xf32>
    %broadcast_in_dim3A_108 = vector.broadcast %broadcast_in_dim3A_107 : vector<512x1xf32> to vector<512x1024xf32>
    %broadcast_in_dim3A_109 = vector.broadcast %jit3A_106 : f32 to vector<512x1024xf32>
    %select_n3A_110 = arith.select %eq3A_99, %broadcast_in_dim3A_108, %broadcast_in_dim3A_109 : vector<512x1024xi1>, vector<512x1024xf32>
    %add3A_111 = arith.addf %add3A_83, %select_n3A_110 : vector<512x1024xf32>
    %reduce_sum3A = arith.constant dense<0.000000e+00> : vector<512xf32>
    %reduce_sum3A_112 = vector.multi_reduction <add>, %add3A_111, %reduce_sum3A [1] : vector<512x1024xf32> to vector<512xf32>
    %broadcast_in_dim3A_113 = vector.shape_cast %reduce_sum3A_112 : vector<512xf32> to vector<512x1xf32>
    %dot_general3A = arith.constant dense<0.000000e+00> : vector<512x128xf32>
    %dot_general3A_114 = tpu.matmul %add3A_111, %get3A_18, %dot_general3A {dimension_numbers = #tpu.dot_dimension_numbers<[1], [0], [0], [1], [0, 0, 1, 1], [], []>, precision = #tpu.contract_precision<fp32>, transpose_lhs_hint = false} : vector<512x1024xf32>, vector<1024x128xf32>, vector<512x128xf32> -> vector<512x128xf32>
    %div3A_115 = vector.broadcast %broadcast_in_dim3A_113 : vector<512x1xf32> to vector<512x128xf32>
    %div3A_116 = arith.divf %dot_general3A_114, %div3A_115 : vector<512x128xf32>
    %get3A_117 = arith.constant 0 : index
    %get3A_118 = arith.constant 0 : index
    %get3A_119 = vector.load %arg6[%get3A_117, %get3A_118] : memref<16x128xf32, #tpu.memory_space<vmem>>, vector<16x128xf32>
    %get3A_120 = arith.constant 0 : index
    %get3A_121 = arith.constant 0 : index
    %get3A_122 = vector.load %arg7[%get3A_120, %get3A_121] : memref<128x128xf32, #tpu.memory_space<vmem>>, vector<128x128xf32>
    %get3A_123 = arith.constant 0 : index
    %get3A_124 = vector.load %arg8[%get3A_123] : memref<128xf32, #tpu.memory_space<vmem>>, vector<128xf32>
    %convert_element_type3A = arith.truncf %get3A_13 : vector<512x16xf32> to vector<512x16xbf16>
    %convert_element_type3A_125 = arith.truncf %get3A_119 : vector<16x128xf32> to vector<16x128xbf16>
    %dot_general3A_126 = arith.constant dense<0.000000e+00> : vector<512x128xf32>
    %dot_general3A_127 = tpu.matmul %convert_element_type3A, %convert_element_type3A_125, %dot_general3A_126 {dimension_numbers = #tpu.dot_dimension_numbers<[1], [0], [0], [1], [0, 0, 1, 1], [], []>, transpose_lhs_hint = false} : vector<512x16xbf16>, vector<16x128xbf16>, vector<512x128xf32> -> vector<512x128xf32>
    %convert_element_type3A_128 = arith.truncf %div3A_116 : vector<512x128xf32> to vector<512x128xbf16>
    %convert_element_type3A_129 = arith.truncf %get3A_122 : vector<128x128xf32> to vector<128x128xbf16>
    %dot_general3A_130 = arith.constant dense<0.000000e+00> : vector<512x128xf32>
    %dot_general3A_131 = tpu.matmul %convert_element_type3A_128, %convert_element_type3A_129, %dot_general3A_130 {dimension_numbers = #tpu.dot_dimension_numbers<[1], [0], [0], [1], [0, 0, 1, 1], [], []>, transpose_lhs_hint = false} : vector<512x128xbf16>, vector<128x128xbf16>, vector<512x128xf32> -> vector<512x128xf32>
    %add3A_132 = arith.addf %dot_general3A_127, %dot_general3A_131 : vector<512x128xf32>
    %broadcast_in_dim3A_133 = vector.shape_cast %get3A_124 : vector<128xf32> to vector<1x128xf32>
    %add3A_134 = vector.broadcast %broadcast_in_dim3A_133 : vector<1x128xf32> to vector<512x128xf32>
    %add3A_135 = arith.addf %add3A_132, %add3A_134 : vector<512x128xf32>
    %max3A = arith.constant 0.000000e+00 : f32
    %max3A_136 = vector.broadcast %max3A : f32 to vector<512x128xf32>
    %max3A_137 = arith.maximumf %add3A_135, %max3A_136 : vector<512x128xf32>
    %get3A_138 = arith.constant 0 : index
    %get3A_139 = arith.constant 0 : index
    %get3A_140 = vector.load %arg9[%get3A_138, %get3A_139] : memref<128x128xf32, #tpu.memory_space<vmem>>, vector<128x128xf32>
    %get3A_141 = arith.constant 0 : index
    %get3A_142 = vector.load %arg10[%get3A_141] : memref<128xf32, #tpu.memory_space<vmem>>, vector<128xf32>
    %convert_element_type3A_143 = arith.truncf %max3A_137 : vector<512x128xf32> to vector<512x128xbf16>
    %convert_element_type3A_144 = arith.truncf %get3A_140 : vector<128x128xf32> to vector<128x128xbf16>
    %dot_general3A_145 = arith.constant dense<0.000000e+00> : vector<512x128xf32>
    %dot_general3A_146 = tpu.matmul %convert_element_type3A_143, %convert_element_type3A_144, %dot_general3A_145 {dimension_numbers = #tpu.dot_dimension_numbers<[1], [0], [0], [1], [0, 0, 1, 1], [], []>, transpose_lhs_hint = false} : vector<512x128xbf16>, vector<128x128xbf16>, vector<512x128xf32> -> vector<512x128xf32>
    %broadcast_in_dim3A_147 = vector.shape_cast %get3A_142 : vector<128xf32> to vector<1x128xf32>
    %add3A_148 = vector.broadcast %broadcast_in_dim3A_147 : vector<1x128xf32> to vector<512x128xf32>
    %add3A_149 = arith.addf %dot_general3A_146, %add3A_148 : vector<512x128xf32>
    %max3A_150 = arith.constant 0.000000e+00 : f32
    %max3A_151 = vector.broadcast %max3A_150 : f32 to vector<512x128xf32>
    %max3A_152 = arith.maximumf %add3A_149, %max3A_151 : vector<512x128xf32>
    %get3A_153 = arith.constant 0 : index
    %get3A_154 = arith.constant 0 : index
    %get3A_155 = vector.load %arg11[%get3A_153, %get3A_154] : memref<128x128xf32, #tpu.memory_space<vmem>>, vector<128x128xf32>
    %get3A_156 = arith.constant 0 : index
    %get3A_157 = vector.load %arg12[%get3A_156] : memref<128xf32, #tpu.memory_space<vmem>>, vector<128xf32>
    %convert_element_type3A_158 = arith.truncf %max3A_152 : vector<512x128xf32> to vector<512x128xbf16>
    %convert_element_type3A_159 = arith.truncf %get3A_155 : vector<128x128xf32> to vector<128x128xbf16>
    %dot_general3A_160 = arith.constant dense<0.000000e+00> : vector<512x128xf32>
    %dot_general3A_161 = tpu.matmul %convert_element_type3A_158, %convert_element_type3A_159, %dot_general3A_160 {dimension_numbers = #tpu.dot_dimension_numbers<[1], [0], [0], [1], [0, 0, 1, 1], [], []>, transpose_lhs_hint = false} : vector<512x128xbf16>, vector<128x128xbf16>, vector<512x128xf32> -> vector<512x128xf32>
    %broadcast_in_dim3A_162 = vector.shape_cast %get3A_157 : vector<128xf32> to vector<1x128xf32>
    %add3A_163 = vector.broadcast %broadcast_in_dim3A_162 : vector<1x128xf32> to vector<512x128xf32>
    %add3A_164 = arith.addf %dot_general3A_161, %add3A_163 : vector<512x128xf32>
    %max3A_165 = arith.constant 0.000000e+00 : f32
    %max3A_166 = vector.broadcast %max3A_165 : f32 to vector<512x128xf32>
    %max3A_167 = arith.maximumf %add3A_164, %max3A_166 : vector<512x128xf32>
    %get3A_168 = arith.constant 0 : index
    %get3A_169 = arith.constant 0 : index
    %get3A_170 = vector.load %arg13[%get3A_168, %get3A_169] : memref<128x128xf32, #tpu.memory_space<vmem>>, vector<128x128xf32>
    %get3A_171 = arith.constant 0 : index
    %get3A_172 = vector.load %arg14[%get3A_171] : memref<128xf32, #tpu.memory_space<vmem>>, vector<128xf32>
    %convert_element_type3A_173 = arith.truncf %max3A_167 : vector<512x128xf32> to vector<512x128xbf16>
    %convert_element_type3A_174 = arith.truncf %get3A_170 : vector<128x128xf32> to vector<128x128xbf16>
    %dot_general3A_175 = arith.constant dense<0.000000e+00> : vector<512x128xf32>
    %dot_general3A_176 = tpu.matmul %convert_element_type3A_173, %convert_element_type3A_174, %dot_general3A_175 {dimension_numbers = #tpu.dot_dimension_numbers<[1], [0], [0], [1], [0, 0, 1, 1], [], []>, transpose_lhs_hint = false} : vector<512x128xbf16>, vector<128x128xbf16>, vector<512x128xf32> -> vector<512x128xf32>
    %broadcast_in_dim3A_177 = vector.shape_cast %get3A_172 : vector<128xf32> to vector<1x128xf32>
    %add3A_178 = vector.broadcast %broadcast_in_dim3A_177 : vector<1x128xf32> to vector<512x128xf32>
    %add3A_179 = arith.addf %dot_general3A_176, %add3A_178 : vector<512x128xf32>
    %max3A_180 = arith.constant 0.000000e+00 : f32
    %max3A_181 = vector.broadcast %max3A_180 : f32 to vector<512x128xf32>
    %max3A_182 = arith.maximumf %add3A_179, %max3A_181 : vector<512x128xf32>
    %swap3A = arith.constant 0 : index
    %swap3A_183 = arith.constant 0 : index
    %swap3A_184 = arith.constant 0 : index
    %swap3A_185 = vector.load %arg21[%swap3A, %swap3A_183, %swap3A_184] : memref<1x512x128xf32, #tpu.memory_space<vmem>>, vector<1x512x128xf32>
    %swap3A_186 = vector.shape_cast %swap3A_185 : vector<1x512x128xf32> to vector<512x128xf32>
    %swap3A_187 = vector.shape_cast %max3A_182 : vector<512x128xf32> to vector<1x512x128xf32>
    tpu.vector_store %arg21[%swap3A, %swap3A_183, %swap3A_184], %swap3A_187 {strides = array<i32>} : memref<1x512x128xf32, #tpu.memory_space<vmem>>, vector<1x512x128xf32>,
    %get3A_188 = arith.constant 0 : index
    %get3A_189 = arith.constant 0 : index
    %get3A_190 = vector.load %arg15[%get3A_188, %get3A_189] : memref<128x128xf32, #tpu.memory_space<vmem>>, vector<128x128xf32>
    %get3A_191 = arith.constant 0 : index
    %get3A_192 = vector.load %arg16[%get3A_191] : memref<128xf32, #tpu.memory_space<vmem>>, vector<128xf32>
    %get3A_193 = arith.constant 0 : index
    %get3A_194 = arith.constant 0 : index
    %get3A_195 = vector.load %arg17[%get3A_193, %get3A_194] : memref<128x64xf32, #tpu.memory_space<vmem>>, vector<128x64xf32>
    %get3A_196 = arith.constant 0 : index
    %get3A_197 = vector.load %arg18[%get3A_196] : memref<64xf32, #tpu.memory_space<vmem>>, vector<64xf32>
    %get3A_198 = arith.constant 0 : index
    %get3A_199 = arith.constant 0 : index
    %get3A_200 = vector.load %arg19[%get3A_198, %get3A_199] : memref<64x13xf32, #tpu.memory_space<vmem>>, vector<64x13xf32>
    %get3A_201 = arith.constant 0 : index
    %get3A_202 = vector.load %arg20[%get3A_201] : memref<13xf32, #tpu.memory_space<vmem>>, vector<13xf32>
    %convert_element_type3A_203 = arith.truncf %max3A_182 : vector<512x128xf32> to vector<512x128xbf16>
    %convert_element_type3A_204 = arith.truncf %get3A_190 : vector<128x128xf32> to vector<128x128xbf16>
    %dot_general3A_205 = arith.constant dense<0.000000e+00> : vector<512x128xf32>
    %dot_general3A_206 = tpu.matmul %convert_element_type3A_203, %convert_element_type3A_204, %dot_general3A_205 {dimension_numbers = #tpu.dot_dimension_numbers<[1], [0], [0], [1], [0, 0, 1, 1], [], []>, transpose_lhs_hint = false} : vector<512x128xbf16>, vector<128x128xbf16>, vector<512x128xf32> -> vector<512x128xf32>
    %broadcast_in_dim3A_207 = vector.shape_cast %get3A_192 : vector<128xf32> to vector<1x128xf32>
    %add3A_208 = vector.broadcast %broadcast_in_dim3A_207 : vector<1x128xf32> to vector<512x128xf32>
    %add3A_209 = arith.addf %dot_general3A_206, %add3A_208 : vector<512x128xf32>
    %gt3A = arith.constant 0.000000e+00 : f32
    %gt3A_210 = vector.broadcast %gt3A : f32 to vector<512x128xf32>
    %gt3A_211 = arith.cmpf ogt, %add3A_209, %gt3A_210 : vector<512x128xf32>
    %mul3A = arith.constant 2.000000e-01 : f32
    %mul3A_212 = vector.broadcast %mul3A : f32 to vector<512x128xf32>
    %mul3A_213 = arith.mulf %mul3A_212, %add3A_209 : vector<512x128xf32>
    %select_n3A_214 = arith.select %gt3A_211, %add3A_209, %mul3A_213 : vector<512x128xi1>, vector<512x128xf32>
    %convert_element_type3A_215 = arith.truncf %select_n3A_214 : vector<512x128xf32> to vector<512x128xbf16>
    %convert_element_type3A_216 = arith.truncf %get3A_195 : vector<128x64xf32> to vector<128x64xbf16>
    %dot_general3A_217 = arith.constant dense<0.000000e+00> : vector<512x64xf32>
    %dot_general3A_218 = tpu.matmul %convert_element_type3A_215, %convert_element_type3A_216, %dot_general3A_217 {dimension_numbers = #tpu.dot_dimension_numbers<[1], [0], [0], [1], [0, 0, 1, 1], [], []>, transpose_lhs_hint = false} : vector<512x128xbf16>, vector<128x64xbf16>, vector<512x64xf32> -> vector<512x64xf32>
    %broadcast_in_dim3A_219 = vector.shape_cast %get3A_197 : vector<64xf32> to vector<1x64xf32>
    %add3A_220 = vector.broadcast %broadcast_in_dim3A_219 : vector<1x64xf32> to vector<512x64xf32>
    %add3A_221 = arith.addf %dot_general3A_218, %add3A_220 : vector<512x64xf32>
    %gt3A_222 = arith.constant 0.000000e+00 : f32
    %gt3A_223 = vector.broadcast %gt3A_222 : f32 to vector<512x64xf32>
    %gt3A_224 = arith.cmpf ogt, %add3A_221, %gt3A_223 : vector<512x64xf32>
    %mul3A_225 = arith.constant 2.000000e-01 : f32
    %mul3A_226 = vector.broadcast %mul3A_225 : f32 to vector<512x64xf32>
    %mul3A_227 = arith.mulf %mul3A_226, %add3A_221 : vector<512x64xf32>
    %select_n3A_228 = arith.select %gt3A_224, %add3A_221, %mul3A_227 : vector<512x64xi1>, vector<512x64xf32>
    %convert_element_type3A_229 = arith.truncf %select_n3A_228 : vector<512x64xf32> to vector<512x64xbf16>
    %convert_element_type3A_230 = arith.truncf %get3A_200 : vector<64x13xf32> to vector<64x13xbf16>
    %dot_general3A_231 = arith.constant dense<0.000000e+00> : vector<512x13xf32>
    %dot_general3A_232 = tpu.matmul %convert_element_type3A_229, %convert_element_type3A_230, %dot_general3A_231 {dimension_numbers = #tpu.dot_dimension_numbers<[1], [0], [0], [1], [0, 0, 1, 1], [], []>, transpose_lhs_hint = false} : vector<512x64xbf16>, vector<64x13xbf16>, vector<512x13xf32> -> vector<512x13xf32>
    %broadcast_in_dim3A_233 = vector.shape_cast %get3A_202 : vector<13xf32> to vector<1x13xf32>
    %add3A_234 = vector.broadcast %broadcast_in_dim3A_233 : vector<1x13xf32> to vector<512x13xf32>
    %add3A_235 = arith.addf %dot_general3A_232, %add3A_234 : vector<512x13xf32>
    %swap3A_236 = arith.constant 0 : index
    %swap3A_237 = arith.constant 0 : index
    %swap3A_238 = arith.constant 0 : index
    %swap3A_239 = vector.load %arg22[%swap3A_236, %swap3A_237, %swap3A_238] : memref<1x512x13xf32, #tpu.memory_space<vmem>>, vector<1x512x13xf32>
    %swap3A_240 = vector.shape_cast %swap3A_239 : vector<1x512x13xf32> to vector<512x13xf32>
    %swap3A_241 = vector.shape_cast %add3A_235 : vector<512x13xf32> to vector<1x512x13xf32>
    tpu.vector_store %arg22[%swap3A_236, %swap3A_237, %swap3A_238], %swap3A_241 {strides = array<i32>} : memref<1x512x13xf32, #tpu.memory_space<vmem>>, vector<1x512x13xf32>,
    return
  }
  func.func @transform_0(%arg0: i32, %arg1: i32) -> (i32, i32, i32) {
    %c0_i32 = arith.constant 0 : i32
    %c0_i32_0 = arith.constant 0 : i32
    return %arg0, %arg1, %c0_i32 : i32, i32, i32
  }
  func.func @transform_1(%arg0: i32, %arg1: i32) -> (i32, i32, i32) {
    %c0_i32 = arith.constant 0 : i32
    %c0_i32_0 = arith.constant 0 : i32
    %c0_i32_1 = arith.constant 0 : i32
    return %arg0, %c0_i32, %c0_i32_0 : i32, i32, i32
  }
  func.func @transform_2(%arg0: i32, %arg1: i32) -> (i32, i32, i32) {
    %c0_i32 = arith.constant 0 : i32
    %c0_i32_0 = arith.constant 0 : i32
    return %arg0, %arg1, %c0_i32 : i32, i32, i32
  }
  func.func @transform_3(%arg0: i32, %arg1: i32) -> (i32, i32, i32) {
    %c0_i32 = arith.constant 0 : i32
    %c0_i32_0 = arith.constant 0 : i32
    %c0_i32_1 = arith.constant 0 : i32
    return %arg0, %c0_i32, %c0_i32_0 : i32, i32, i32
  }
  func.func @transform_4(%arg0: i32, %arg1: i32) -> (i32, i32) {
    %c0_i32 = arith.constant 0 : i32
    %c0_i32_0 = arith.constant 0 : i32
    %c0_i32_1 = arith.constant 0 : i32
    return %c0_i32, %c0_i32_0 : i32, i32
  }
  func.func @transform_5(%arg0: i32, %arg1: i32) -> (i32, i32) {
    %c0_i32 = arith.constant 0 : i32
    %c0_i32_0 = arith.constant 0 : i32
    %c0_i32_1 = arith.constant 0 : i32
    return %c0_i32, %c0_i32_0 : i32, i32
  }
  func.func @transform_6(%arg0: i32, %arg1: i32) -> i32 {
    %c0_i32 = arith.constant 0 : i32
    %c0_i32_0 = arith.constant 0 : i32
    return %c0_i32 : i32
  }
  func.func @transform_7(%arg0: i32, %arg1: i32) -> (i32, i32) {
    %c0_i32 = arith.constant 0 : i32
    %c0_i32_0 = arith.constant 0 : i32
    %c0_i32_1 = arith.constant 0 : i32
    return %c0_i32, %c0_i32_0 : i32, i32
  }
  func.func @transform_8(%arg0: i32, %arg1: i32) -> i32 {
    %c0_i32 = arith.constant 0 : i32
    %c0_i32_0 = arith.constant 0 : i32
    return %c0_i32 : i32
  }
  func.func @transform_9(%arg0: i32, %arg1: i32) -> (i32, i32) {
    %c0_i32 = arith.constant 0 : i32
    %c0_i32_0 = arith.constant 0 : i32
    %c0_i32_1 = arith.constant 0 : i32
    return %c0_i32, %c0_i32_0 : i32, i32
  }
  func.func @transform_10(%arg0: i32, %arg1: i32) -> i32 {
    %c0_i32 = arith.constant 0 : i32
    %c0_i32_0 = arith.constant 0 : i32
    return %c0_i32 : i32
  }
  func.func @transform_11(%arg0: i32, %arg1: i32) -> (i32, i32) {
    %c0_i32 = arith.constant 0 : i32
    %c0_i32_0 = arith.constant 0 : i32
    %c0_i32_1 = arith.constant 0 : i32
    return %c0_i32, %c0_i32_0 : i32, i32
  }
  func.func @transform_12(%arg0: i32, %arg1: i32) -> i32 {
    %c0_i32 = arith.constant 0 : i32
    %c0_i32_0 = arith.constant 0 : i32
    return %c0_i32 : i32
  }
  func.func @transform_13(%arg0: i32, %arg1: i32) -> (i32, i32) {
    %c0_i32 = arith.constant 0 : i32
    %c0_i32_0 = arith.constant 0 : i32
    %c0_i32_1 = arith.constant 0 : i32
    return %c0_i32, %c0_i32_0 : i32, i32
  }
  func.func @transform_14(%arg0: i32, %arg1: i32) -> i32 {
    %c0_i32 = arith.constant 0 : i32
    %c0_i32_0 = arith.constant 0 : i32
    return %c0_i32 : i32
  }
  func.func @transform_15(%arg0: i32, %arg1: i32) -> (i32, i32) {
    %c0_i32 = arith.constant 0 : i32
    %c0_i32_0 = arith.constant 0 : i32
    %c0_i32_1 = arith.constant 0 : i32
    return %c0_i32, %c0_i32_0 : i32, i32
  }
  func.func @transform_16(%arg0: i32, %arg1: i32) -> i32 {
    %c0_i32 = arith.constant 0 : i32
    %c0_i32_0 = arith.constant 0 : i32
    return %c0_i32 : i32
  }
  func.func @transform_17(%arg0: i32, %arg1: i32) -> (i32, i32) {
    %c0_i32 = arith.constant 0 : i32
    %c0_i32_0 = arith.constant 0 : i32
    %c0_i32_1 = arith.constant 0 : i32
    return %c0_i32, %c0_i32_0 : i32, i32
  }
  func.func @transform_18(%arg0: i32, %arg1: i32) -> i32 {
    %c0_i32 = arith.constant 0 : i32
    %c0_i32_0 = arith.constant 0 : i32
    return %c0_i32 : i32
  }
  func.func @transform_19(%arg0: i32, %arg1: i32) -> (i32, i32, i32) {
    %c0_i32 = arith.constant 0 : i32
    %c0_i32_0 = arith.constant 0 : i32
    return %arg0, %arg1, %c0_i32 : i32, i32, i32
  }
  func.func @transform_20(%arg0: i32, %arg1: i32) -> (i32, i32, i32) {
    %c0_i32 = arith.constant 0 : i32
    %c0_i32_0 = arith.constant 0 : i32
    return %arg0, %arg1, %c0_i32 : i32, i32, i32
  }
}

</mosaic_0001>

<sc_bundles>
// kernel: gather_offload_async_start.1
scs
__scs_entry_jumppad:
0x0: {  	(pc) =	sbr.rel $0x88, $3  }
0x1: {  	(tag) =	ssettag $0x0;
	lr =	simm.s32 $0x1  }
0x2: {  	[smem:$0x3F6E] =	sst lr;
	_ =	strace $0xD0000000  }
0x3: {  	_ = 	snop  }
0x4: {  	_ = 	snop  }
0x5: {  	_ = 	snop  }
0x6: {  	_ = 	snop  }
0x7: {  	_ = 	snop  }
__scs_overlays_trampoline_lowered:
0x8: {  	[smem:$0x3F7D] =	sst s0  }
0x9: {  	[smem:$0x3F7E] =	sst s1  }
0xa: {  	[smem:$0x3F7F] =	sst s2  }
0xb: {  	[smem:$0x3F80] =	sst s3  }
0xc: {  	[smem:$0x3F81] =	sst s4  }
0xd: {  	[smem:$0x3F82] =	sst s5  }
0xe: {  	[smem:$0x3F83] =	sst s6  }
0xf: {  	[smem:$0x3F84] =	sst s7  }
0x10: {  	[smem:$0x3F85] =	sst s8  }
0x11: {  	[smem:$0x3F86] =	sst s9;
	s0 =	simm.s32 @!p0 $0x0  }
0x12: {  	s1 =	sld [smem:$0x3F6C];
	s0 =	simm.s32 @p0 $0x1  }
0x13: {  	[smem:$0x3F87] =	sst s0;
	s0 =	simm.s32 @!p1 $0x0  }
0x14: {  	s2 =	sld [smem:$0x3F6B];
	s0 =	simm.s32 @p1 $0x1  }
0x15: {  	[smem:$0x3F88] =	sst s0;
	s0 =	simm.s32 @!p2 $0x0  }
0x16: {  	s3 =	sld [smem:$0x3FDB];
	s0 =	simm.s32 @p2 $0x1  }
0x17: {  	s4 =	simm.s32 $0x1BF5;
	[smem:$0x3F8A] =	sst s0  }
0x18: {  	s0 =	sld [smem:$0x3F6D];
	_ =	swait.ge [sflag:s4], $0x0  }
0x19: {  	s7 =	sld [smem:$0x3F6E]  }
0x1a: {  	s8 =	sadd.s32 $0xFFFFE003, lr  }
0x1b: {  	s9 =	sadd.s32 $0xFFFFFEF7, lr;
	s5 =	simm.s32 $0xFFFFFFFF;
	p2 =	slt.u32 s8, $0xFFFFF086  }
0x1c: {  	p1 =	slt.u32 s9, $0xF7A;
	s5 =	simm.s32 @!p2 $0x0  }
0x1d: {  	s5 =	simm.s32 @p1 $0x1;
	p0 =	seq.s32 s7, s2  }
0x1e: {  	s7 =	smul.u32 @!p0 $0xF7A, s2;
	p2 =	seq.s32 @!p0 s5, $0x0  }
0x1f: {  	s9 =	smul.u32 $0xF7A, s1;
	s8 =	simm.s32 @!p0 $0x1BF5;
	p2 =	por !p2, p0  }
0x20: {  	[sflag:s8] =	ssyncset.s32 @!p0 $0xFFFFF086;
	s6 =	sadd.s32 @!p0 s3, s7;
	s7 =	simm.s32 @!p0 $0x108  }
0x21: {  	s3 =	sadd.s32 s3, s9;
	s6 =	sadd.s32 @!p0 $0x88, s6;
	s7 =	simm.s32 @p2 $0x1082  }
0x22: {  	[simem:s7], [sflag:s8] =	dma.local @!p0 [hbm:s6], $0xF7A  }
0x23: {  	s9 =	sor.u32 $0xD0000000, s2;
	s6 =	simm.s32 $0x108;
	_ =	swait.ge @!p0 [sflag:s8], $0x0  }
0x24: {  	s3 =	sadd.s32 $0x88, s3;
	s6 =	simm.s32 @!p1 $0x1082;
	[sflag:s4] =	ssyncset.s32 $0xFFFFF086  }
0x25: {  	[simem:s6], [sflag:s4] =	dma.local [hbm:s3], $0xF7A  }
0x26: {  	[smem:$0x3F6E] =	sst s1;
	(tag) =	ssettag s2;
	_ =	strace s9  }
0x27: {  	s1 =	sld [smem:$0x3F7E]  }
0x28: {  	s2 =	sld [smem:$0x3F7F]  }
0x29: {  	s4 =	sld [smem:$0x3F81]  }
0x2a: {  	p0 =	seq.s32 s5, $0x0;
	s5 =	sld [smem:$0x3F82]  }
0x2b: {  	s6 =	sld [smem:$0x3F83]  }
0x2c: {  	s7 =	sld [smem:$0x3F84]  }
0x2d: {  	s3 =	simm.s32 $0x108;
	s8 =	sld [smem:$0x3F85]  }
0x2e: {  	s3 =	simm.s32 @!p0 $0x1082;
	s9 =	sld [smem:$0x3F86]  }
0x2f: {  	lr =	sadd.s32 s0, s3;
	s0 =	sld [smem:$0x3F7D]  }
0x30: {  	s3 =	sld [smem:$0x3F80]  }
0x31: {  	[smem:$0x3F89] =	sst s10  }
0x32: {  	s10 =	sld [smem:$0x3F87];
	_ =	sdelay $0x3  }
0x33: {  	p0 =	seq.s32 s10, $0x1;
	s10 =	sld [smem:$0x3F89];
	_ =	sdelay $0x3  }
0x34: {  	[smem:$0x3F89] =	sst s10  }
0x35: {  	s10 =	sld [smem:$0x3F88];
	_ =	sdelay $0x3  }
0x36: {  	p1 =	seq.s32 s10, $0x1;
	s10 =	sld [smem:$0x3F89];
	_ =	sdelay $0x3  }
0x37: {  	[smem:$0x3F89] =	sst s10  }
0x38: {  	s10 =	sld [smem:$0x3F8A]  }
0x39: {  	_ = 	snop;
	(pc) =	sbr.ind lr, $3  }
0x3a: {  	_ = 	snop  }
0x3b: {  	_ = 	snop  }
0x3c: {  	p2 =	seq.s32 s10, $0x1;
	s10 =	sld [smem:$0x3F89]  }
0x3d: {  	_ =	shalt  }
0x3e: {  	_ =	shalt  }
0x3f: {  	_ =	shalt  }
0x40: {  	_ =	shalt  }
0x41: {  	_ =	shalt  }
0x42: {  	_ =	shalt  }
0x43: {  	_ =	shalt  }
0x44: {  	_ =	shalt  }
0x45: {  	_ =	shalt  }
0x46: {  	_ =	shalt  }
0x47: {  	_ =	shalt  }
0x48: {  	_ =	shalt  }
0x49: {  	_ =	shalt  }
0x4a: {  	_ =	shalt  }
0x4b: {  	_ =	shalt  }
0x4c: {  	_ =	shalt  }
0x4d: {  	_ =	shalt  }
0x4e: {  	_ =	shalt  }
0x4f: {  	_ =	shalt  }
0x50: {  	_ =	shalt  }
0x51: {  	_ =	shalt  }
0x52: {  	_ =	shalt  }
0x53: {  	_ =	shalt  }
0x54: {  	_ =	shalt  }
0x55: {  	_ =	shalt  }
0x56: {  	_ =	shalt  }
0x57: {  	_ =	shalt  }
0x58: {  	_ =	shalt  }
0x59: {  	_ =	shalt  }
0x5a: {  	_ =	shalt  }
0x5b: {  	_ =	shalt  }
0x5c: {  	_ =	shalt  }
0x5d: {  	_ =	shalt  }
0x5e: {  	_ =	shalt  }
0x5f: {  	_ =	shalt  }
0x60: {  	_ =	shalt  }
0x61: {  	_ =	shalt  }
0x62: {  	_ =	shalt  }
0x63: {  	_ =	shalt  }
0x64: {  	_ =	shalt  }
0x65: {  	_ =	shalt  }
0x66: {  	_ =	shalt  }
0x67: {  	_ =	shalt  }
0x68: {  	_ =	shalt  }
0x69: {  	_ =	shalt  }
0x6a: {  	_ =	shalt  }
0x6b: {  	_ =	shalt  }
0x6c: {  	_ =	shalt  }
0x6d: {  	_ =	shalt  }
0x6e: {  	_ =	shalt  }
0x6f: {  	_ =	shalt  }
0x70: {  	_ =	shalt  }
0x71: {  	_ =	shalt  }
0x72: {  	_ =	shalt  }
0x73: {  	_ =	shalt  }
0x74: {  	_ =	shalt  }
0x75: {  	_ =	shalt  }
0x76: {  	_ =	shalt  }
0x77: {  	_ =	shalt  }
0x78: {  	_ =	shalt  }
0x79: {  	_ =	shalt  }
0x7a: {  	_ =	shalt  }
0x7b: {  	_ =	shalt  }
0x7c: {  	_ =	shalt  }
0x7d: {  	_ =	shalt  }
0x7e: {  	_ =	shalt  }
0x7f: {  	_ =	shalt  }
0x80: {  	_ =	shalt  }
0x81: {  	_ =	shalt  }
0x82: {  	_ =	shalt  }
0x83: {  	_ =	shalt  }
0x84: {  	_ =	shalt  }
0x85: {  	_ =	shalt  }
0x86: {  	_ =	shalt  }
0x87: {  	_ =	shalt  }
.Lfunc_end0:
.L_simem_size_0:
called_computation.2_lowered:
.L_overlay_start_0:
0x88: {  	s2 =	sld [smem:$0x3FD9]  }
0x89: {  	s3 =	sld [smem:$0x3FFE];
	_ =	sdelay $0x1  }
0x8a: {  	s1 =	srdreg.scid  }
0x8b: {  	s0 =	sand.u32 $0x1, s1  }
0x8c: {  	s14 =	sshll.u32 s0, $0xA;
	s2 =	sadd.s32 s3, s2  }
0x8d: {  	s2 =	sadd.s32 s2, s14  }
0x8e: {  	[smem:$0x3F95] =	sst s2  }
0x8f: {  	_ = 	snop  }
0x90: {  	s2 =	sld [smem:$0x3FD0];
	_ =	sdelay $0x2  }
0x91: {  	s15 =	simm.s32 $0xB;
	s4 =	simm.s32 $0x10  }
0x92: {  	[smem:s4], [sflag:s15] =	dma.local [hbm:s2], $0x1  }
0x93: {  	_ =	swait.eq [sflag:s15], $0x1  }
0x94: {  	[sflag:s15] =	ssyncset.done $0x0  }
0x95: {  	[sflag:s15] =	ssyncadd.s32 $0xFFFFFFFF  }
0x96: {  	s16 =	sld [smem:$0x11];
	(tm) =	ssettm $0x1  }
0x97: {  	s17 =	sld [smem:$0x3FFB];
	_ =	sdelay $0x3  }
0x98: {  	_ =	strace s17  }
0x99: {  	s3 =	sld [smem:$0x3FFC];
	_ =	sdelay $0x3  }
0x9a: {  	_ =	strace s3  }
0x9b: {  	s3 =	sld [smem:$0x3FFD];
	_ =	sdelay $0x3  }
0x9c: {  	_ =	strace s3  }
0x9d: {  	_ =	strace $0x8FFFFFFF  }
0x9e: {  	s18 =	sld [smem:$0x3FDB];
	_ =	sdelay $0x1  }
0x9f: {  	s19 =	simm.s32 $_scs_section_size  }
0xa0: {  	s5 =	simm.s32 $_size__tile_overlayer_lowered;
	s6 =	simm.s32 $_tile_overlayer_lowered  }
0xa1: {  	s22 =	simm.s32 $0x1BFF;
	s21 =	sshll.u32 s6, $0x1;
	s3 =	sadd.s32 s19, s18  }
0xa2: {  	s7 =	simm.s32 $0x0;
	s20 =	sshll.u32 s5, $0x1;
	s5 =	sadd.s32 s21, s3  }
0xa3: {  	[timem:s7], [sflag:s22] =	dma.local [hbm:s5], s20  }
0xa4: {  	_ =	swait.ge [sflag:s22], s20  }
0xa5: {  	s4 =	ssub.s32 $0x0, s20;
	[sflag:s22] =	ssyncset.done $0x0  }
0xa6: {  	[sflag:s22] =	ssyncadd.s32 s4;
	_ =	sdelay $0x1  }
0xa7: {  	s23 =	simm.s32 $0x1B8B  }
0xa8: {  	_ =	swait.ge [sflag:s23], $0x1  }
0xa9: {  	[sflag:s23] =	ssyncset.done $0x0  }
0xaa: {  	s25 =	simm.s32 $0x1B8E;
	s24 =	sld [smem:$0x3FFE];
	[sflag:s23] =	ssyncadd.s32 $0xFFFFFFFF  }
0xab: {  	s26 =	simm.s32 $execute0_lowered;
	[smem:$0x3FD2] =	sst s25  }
0xac: {  	s5 =	sshll.u32 s26, $0x1;
	_ =	strace $0x80000049;
	[dreg:$0x1] =	wrdreg $0xFFFFFFFF  }
0xad: {  	s28 =	simm.s32 $_size_execute0_lowered;
	s3 =	sadd.s32 s3, s5;
	[dreg:$0x0] =	wrdreg $0x0  }
0xae: {  	s5 =	sshll.u32 s28, $0x1;
	[dreg:$0x2] =	wrdreg s3  }
0xaf: {  	[dreg:$0x3] =	wrdreg s5  }
0xb0: {  	[dreg:$0x4] =	wrdreg $0xC0  }
0xb1: {  	_ =	task [dreg:s7], $0x5FFFF  }
0xb2: {  	[dreg:$0x1] =	wrdreg $0xFFFFFFFF  }
0xb3: {  	[dreg:$0x0] =	wrdreg $0x60  }
0xb4: {  	[dreg:$0x2] =	wrdreg s24  }
0xb5: {  	[dreg:$0x3] =	wrdreg s16  }
0xb6: {  	[dreg:$0x4] =	wrdreg $0xA  }
0xb7: {  	_ =	task.clear_ibuf [dreg:s7], $0x5FFFF;
	_ =	strace $0x90000049  }
0xb8: {  	s29 =	simm.s32 $0xA;
	_ =	strace $0x8000004B  }
0xb9: {  	_ =	swait.ge [sflag:s29], $0x1  }
0xba: {  	[sflag:s29] =	ssyncadd.s32 $0xFFFFFFFF  }
0xbb: {  	_ =	strace $0x9000004B  }
0xbc: {  	_ =	sfence  }
0xbd: {  	s30 =	sld [smem:$0x0];
	_ =	sdelay $0x2  }
0xbe: {  	s31 =	sshll.u32 s1, $0xD;
	s1 =	sshrl.u32 s1, $0x2  }
0xbf: {  	s3 =	sand.u32 $0x4000, s31;
	s1 =	sadd.s32 s1, s30  }
0xc0: {  	s0 =	sor.u32 s3, s0;
	s1 =	sshll.u32 s1, $0x11  }
0xc1: {  	s0 =	sor.u32 s1, s0  }
0xc2: {  	s0 =	sadd.s32 $0x8F2B, s0  }
0xc3: {  	[sflag:s0] =	ssyncadd.remote.s32 $0x1  }
0xc4: {  	_ =	sfence.sel $0xFFFF  }
0xc5: {  	[dreg:$0x0] =	wrdreg $0xFFFFFFFF;
	(pc) =	sbr.abs _section_cstart, $3  }
0xc6: {  	[dreg:$0x1] =	wrdreg $0xFFFFFFFF  }
0xc7: {  	_ =	task.clear_ibuf [dreg:s7], $0x2FFFF;
	_ =	strace $0x9FFFFFFF  }
0xc8: {  	(tm) =	ssettm $0x7FFFFFFF  }
0xc9: {  	_ =	shalt  }
tec
execute0_lowered:
.L_overlay_start_1:
0x0: {  	(tag) =	ssettag $0x1  }
0x1: {  	s7 =	rddreg [dreg:$0x0]  }
0x2: {  	s2 =	rddreg [dreg:$0x1]  }
0x3: {  	s0 =	rddreg [dreg:$0x2]  }
0x4: {  	s1 =	srdreg.scid;
	_ =	strace $0x8000004A;
	s4 =	simm.s32 $0x1  }
0x5: {  	s9 =	simm.s32 $0x3;
	s12 =	simm.s32 $0x0;
	s5 =	sshll.u32 s1, $0x4  }
.Ltmp0:
0x6: {  	s1 =	stileid.u32;
	s5 =	sand.u32 $0x10, s5;
	(pc) =	sbr.rel .LBB2_1-.Ltmp0, $4  }
0x7: {  	s10 =	simm.s32 $0x0;
	s3 =	sadd.s32 $0x100000, s7;
	s6 =	sor.u32 s1, s5  }
0x8: {  	[sflag:s4] =	ssyncpa.u1 $0x0;
	s5 =	simm.s32 $0x2;
	s6 =	sshll.u32 s6, $0x6  }
0x9: {  	s7 =	sadd.s32 $0x5AEC00, s7;
	[sflag:s5] =	ssyncpa.u1 $0x0;
	s8 =	sadd.s32 $0x40, s6  }
0xa: {  	vm0 =	vmmov $0xff;
	vm1 =	vcmask $0x3F20;
	[sflag:s9] =	ssyncpa.u1 $0x0;
	s9 =	simm.s32 $0x40;
	s11 =	smov.u32 s6  }
.LBB2_9:
0xb: {  	p0 =	seq.s32 s10, $0x2  }
.Ltmp1:
0xc: {  	_ = 	snop;
	(pc) =	sbr.rel @p0 .LBB2_11-.Ltmp1, $1  }
0xd: {  	_ =	sdelay $0x3  }
.LBB2_10:
0xe: {  	s12 =	sadd.s32 $0x40, s11  }
0xf: {  	s13 =	smov.u32 s6;
	p0 =	slt.s32 s12, s8  }
0x10: {  	s13 =	smov.u32 @p0 s12  }
0x11: {  	s10 =	sadd.s32 $0x1, s10;
	s12 =	smov.u32 s11;
	s11 =	smov.u32 s13  }
.LBB2_1:
0x12: {  	p0 =	sne.s32 s10, $0x0  }
.Ltmp2:
0x13: {  	_ = 	snop;
	(pc) =	sbr.rel @!p0 .LBB2_2-.Ltmp2, $1  }
0x14: {  	_ =	sdelay $0x3  }
0x15: {  	s13 =	sand.u32 $0x1, s10  }
0x16: {  	p0 =	seq.s32 s13, $0x0  }
.Ltmp3:
0x17: {  	_ = 	snop;
	(pc) =	sbr.rel @p0 .LBB2_9-.Ltmp3, $1  }
0x18: {  	_ =	sdelay $0x3  }
0x19: {  	_ =	swait.ge [sflag:s5], $0x40  }
0x1a: {  	[sflag:s5] =	ssyncset.done $0x0  }
0x1b: {  	s13 =	simm.s32 $0x0;
	[sflag:s5] =	ssyncadd.s32 $0xFFFFFFC0  }
0x1c: {  	v0 =	vld.msk [tilespmem:s13+$0x40 ss:$0x1], $0xffff;
	_ =	sdelay $0x4  }
0x1d: {  	v1 =	vshll.u32 v0, $0x4  }
0x1e: {  	vm2 =	veq.s32 v0, $0x80000000;
	v0 =	vshll.u32 v0, $0x11;
	v1 =	vand.u32 $0x1FF80, v1  }
0x1f: {  	v0 =	vand.u32 $0xE0000, v0;
	v1 =	vsel vm2, $0xFFFFFF80, v1  }
0x20: {  	v0 =	vsel vm2, $0xFFFE0000, v0;
	v2 =	vand.u32 $0xFFFFFC00, v1  }
0x21: {  	v1 =	vand.u32 $0x380, v1;
	v0 =	vadd.s32 v0, v2  }
0x22: {  	v0 =	vor.u32 v1, v0  }
0x23: {  	v0 =	vshrl.u32 v0, $0x3;
	_ =	sdelay $0x3  }
0x24: {  	s13 =	simm.s32 $0x2080  }
0x25: {  	[tilespmem:s13], [sflag:$0x1] =	stream.indirect_vreg.gather [hbm:s3], $0x80, v0, vm0, $0x38;
	[tilespmem:$0x4080] =	vst v63  }
0x26: {  	s14 =	simm.s32 $0x2480;
	s31 =	simm.s32 $0x10  }
0x27: {  	[tilespmem:s14], [sflag:$0x1] =	stream.indirect_vreg.gather [hbm:s3], $0x80, v0, vm1, $0x38;
	[tilespmem:$0x4080] =	vst v63  }
0x28: {  	s14 =	simm.s32 $0x80;
	v0 =	vld.msk [tilespmem:s31+$0x40 ss:$0x1], $0xffff  }
.LBB2_5:
0x29: {  	p0 =	sne.s32 s14, $0xC0;
	_ =	sdelay $0x4  }
0x2a: {  	v1 =	vshll.u32 v0, $0x4  }
0x2b: {  	vm2 =	veq.s32 v0, $0x80000000;
	v0 =	vshll.u32 v0, $0x11;
	v1 =	vand.u32 $0x1FF80, v1  }
0x2c: {  	v0 =	vand.u32 $0xE0000, v0;
	v1 =	vsel vm2, $0xFFFFFF80, v1  }
0x2d: {  	v0 =	vsel vm2, $0xFFFE0000, v0;
	v2 =	vand.u32 $0xFFFFFC00, v1  }
0x2e: {  	v1 =	vand.u32 $0x380, v1;
	v0 =	vadd.s32 v0, v2  }
0x2f: {  	v0 =	vor.u32 v1, v0  }
0x30: {  	v0 =	vshrl.u32 v0, $0x3;
	_ =	sdelay $0x3  }
.Ltmp4:
0x31: {  	s13 =	sadd.s32 $0x800, s13;
	(pc) =	sbr.rel @p0 .LBB2_5-.Ltmp4, $4  }
0x32: {  	[tilespmem:s13], [sflag:$0x1] =	stream.indirect_vreg.gather [hbm:s3], $0x80, v0, vm0, $0x38;
	[tilespmem:$0x4080] =	vst v63  }
0x33: {  	s15 =	sshra.s32 s14, $0x2;
	s16 =	sadd.s32 $0x400, s13  }
0x34: {  	[tilespmem:s16], [sflag:$0x1] =	stream.indirect_vreg.gather [hbm:s3], $0x80, v0, vm1, $0x38;
	[tilespmem:$0x4080] =	vst v63  }
0x35: {  	s14 =	sadd.s32 $0x40, s14;
	v0 =	vld.msk [tilespmem:s15+$0x40 ss:$0x1], $0xffff  }
0x36: {  	_ =	sdelay $0x3  }
0x37: {  	v1 =	vshll.u32 v0, $0x4  }
0x38: {  	vm2 =	veq.s32 v0, $0x80000000;
	v63 =	vshll.u32 v0, $0x11;
	v1 =	vand.u32 $0x1FF80, v1  }
0x39: {  	v0 =	vand.u32 $0xE0000, v63;
	v1 =	vsel vm2, $0xFFFFFF80, v1  }
0x3a: {  	v0 =	vsel vm2, $0xFFFE0000, v0;
	v2 =	vand.u32 $0xFFFFFC00, v1  }
0x3b: {  	v1 =	vand.u32 $0x380, v1;
	v0 =	vadd.s32 v0, v2  }
0x3c: {  	v0 =	vor.u32 v1, v0  }
0x3d: {  	v0 =	vshrl.u32 v0, $0x3;
	_ =	sdelay $0x3  }
0x3e: {  	s13 =	sadd.s32 $0x800, s13  }
0x3f: {  	[tilespmem:s13], [sflag:$0x1] =	stream.indirect_vreg.gather [hbm:s3], $0x80, v0, vm0, $0x38;
	[tilespmem:$0x4080] =	vst v63  }
0x40: {  	s13 =	sadd.s32 $0x400, s13  }
0x41: {  	[tilespmem:s13], [sflag:$0x1] =	stream.indirect_vreg.gather [hbm:s3], $0x80, v0, vm1, $0x38;
	[tilespmem:$0x4080] =	vst v63  }
0x42: {  	s12 =	sshll.u32 s12, $0x4;
	s14 =	simm.s32 $0x80;
	_ =	swait.ge [sflag:s4], $0x2000  }
0x43: {  	s15 =	simm.s32 $0x2480;
	s12 =	sadd.s32 s12, s7;
	[sflag:s4] =	ssyncset.done $0x0  }
0x44: {  	s16 =	sadd.s32 $0x0, s12;
	s13 =	simm.s32 $0x2080;
	[sflag:s4] =	ssyncadd.s32 $0xFFFFE000  }
.LBB2_7:
0x45: {  	[hbm:s16] =	stream.linear.scatter [tilespmem:s13], [sflag:$0x3], $0x400, $0x38;
	[tilespmem:$0x4080] =	vst v63  }
0x46: {  	s16 =	smov.u32 s14;
	s13 =	smov.u32 s15;
	p0 =	sne.s32 s14, $0x380  }
.Ltmp5:
0x47: {  	s14 =	sadd.s32 $0x80, s14;
	(pc) =	sbr.rel @p0 .LBB2_7-.Ltmp5, $2  }
0x48: {  	_ =	sdelay $0x2  }
0x49: {  	s15 =	sadd.s32 $0x400, s15;
	s16 =	sadd.s32 s16, s12  }
.Ltmp6:
0x4a: {  	(pc) =	sbr.rel .LBB2_9-.Ltmp6, $2  }
0x4b: {  	_ =	sdelay $0x2  }
0x4c: {  	[hbm:s16] =	stream.linear.scatter [tilespmem:s13], [sflag:$0x3], $0x400, $0x38;
	[tilespmem:$0x4080] =	vst v63  }
.LBB2_2:
.Ltmp7:
0x4d: {  	(pc) =	sbr.rel .LBB2_10-.Ltmp7, $4  }
0x4e: {  	_ = 	snop  }
0x4f: {  	s12 =	sshrl.u32 s11, $0x3  }
0x50: {  	s13 =	sand.u32 $0x7, s11;
	s12 =	sadd.s32 s2, s12  }
0x51: {  	[tilespmem:s9], [sflag:$0x2] =	stream.linear.gather [hbm4b:s12+s13], $0x40, $0x38;
	[tilespmem:$0x4080] =	vst v63  }
.LBB2_11:
0x52: {  	s2 =	simm.s32 $0x3  }
0x53: {  	_ =	swait.ge [sflag:s2], $0x2000  }
0x54: {  	[sflag:s2] =	ssyncset.done $0x0  }
0x55: {  	[sflag:s2] =	ssyncadd.s32 $0xFFFFE000  }
0x56: {  	_ =	sfence.sel $0x180000  }
0x57: {  	s3 =	simm.s32 $0x2;
	[bflag:$0x0] =	sbarrier.arrive $0xFFFF  }
0x58: {  	[sflag:s3] =	ssyncpa.u1 $0x1  }
0x59: {  	s31 =	simm.s32 $0x1;
	[sflag:s2] =	ssyncpa.u1 $0x1  }
0x5a: {  	[sflag:s31] =	ssyncpa.u1 $0x1  }
0x5b: {  	p0 =	sne.s32 s1, $0x0;
	_ =	strace $0x9000004A  }
0x5c: {  	s0 =	sadd.s32 @!p0 $0x100000, s0;
	[bflag:$0x2] =	sbarrier.arrive $0xFFFF  }
0x5d: {  	[sflag:s0] =	ssyncadd.tile.s32 @!p0 $0x1;
	_ =	shalt  }
.Lfunc_end2:
_tile_overlayer_lowered:
.L_overlay_start_2:
0x5e: {  	(tag) =	ssettag $0x2  }
0x5f: {  	s0 =	rddreg [dreg:$0x0];
	s2 =	stileid.u32  }
0x60: {  	s1 =	rddreg [dreg:$0x1];
	p0 =	sne.s32 s2, $0x0  }
0x61: {  	s3 =	rddreg [dreg:$0x2];
	[bflag:$0x3] =	sbarrier.arrive $0xFFFF;
	s2 =	simm.s32 @!p0 $0x1C01  }
0x62: {  	[timem:s3], [sflag:s2] =	dma.local @!p0 [hbm:s0], s1  }
0x63: {  	s0 =	simm.s32 @!p0 $0x1  }
0x64: {  	_ =	swait.ge @!p0 [sflag:s0], s1  }
0x65: {  	s1 =	ssub.s32 @!p0 $0x0, s1;
	[sflag:s0] =	ssyncset.done @!p0 $0x0  }
0x66: {  	[sflag:s0] =	ssyncadd.s32 @!p0 s1  }
0x67: {  	[bflag:$0x3] =	sbarrier.arrive $0xFFFF  }
0x68: {  	_ =	shalt  }

// kernel: gather_offload_async_start
scs
__scs_entry_jumppad:
0x0: {  	(pc) =	sbr.rel $0x88, $3  }
0x1: {  	(tag) =	ssettag $0x0;
	lr =	simm.s32 $0x1  }
0x2: {  	[smem:$0x3F6E] =	sst lr;
	_ =	strace $0xD0000000  }
0x3: {  	_ = 	snop  }
0x4: {  	_ = 	snop  }
0x5: {  	_ = 	snop  }
0x6: {  	_ = 	snop  }
0x7: {  	_ = 	snop  }
__scs_overlays_trampoline_lowered:
0x8: {  	[smem:$0x3F7D] =	sst s0  }
0x9: {  	[smem:$0x3F7E] =	sst s1  }
0xa: {  	[smem:$0x3F7F] =	sst s2  }
0xb: {  	[smem:$0x3F80] =	sst s3  }
0xc: {  	[smem:$0x3F81] =	sst s4  }
0xd: {  	[smem:$0x3F82] =	sst s5  }
0xe: {  	[smem:$0x3F83] =	sst s6  }
0xf: {  	[smem:$0x3F84] =	sst s7  }
0x10: {  	[smem:$0x3F85] =	sst s8  }
0x11: {  	[smem:$0x3F86] =	sst s9;
	s0 =	simm.s32 @!p0 $0x0  }
0x12: {  	s1 =	sld [smem:$0x3F6C];
	s0 =	simm.s32 @p0 $0x1  }
0x13: {  	[smem:$0x3F87] =	sst s0;
	s0 =	simm.s32 @!p1 $0x0  }
0x14: {  	s2 =	sld [smem:$0x3F6B];
	s0 =	simm.s32 @p1 $0x1  }
0x15: {  	[smem:$0x3F88] =	sst s0;
	s0 =	simm.s32 @!p2 $0x0  }
0x16: {  	s3 =	sld [smem:$0x3FDB];
	s0 =	simm.s32 @p2 $0x1  }
0x17: {  	s4 =	simm.s32 $0x1BF5;
	[smem:$0x3F8A] =	sst s0  }
0x18: {  	s0 =	sld [smem:$0x3F6D];
	_ =	swait.ge [sflag:s4], $0x0  }
0x19: {  	s7 =	sld [smem:$0x3F6E]  }
0x1a: {  	s8 =	sadd.s32 $0xFFFFE003, lr  }
0x1b: {  	s9 =	sadd.s32 $0xFFFFFEF7, lr;
	s5 =	simm.s32 $0xFFFFFFFF;
	p2 =	slt.u32 s8, $0xFFFFF086  }
0x1c: {  	p1 =	slt.u32 s9, $0xF7A;
	s5 =	simm.s32 @!p2 $0x0  }
0x1d: {  	s5 =	simm.s32 @p1 $0x1;
	p0 =	seq.s32 s7, s2  }
0x1e: {  	s7 =	smul.u32 @!p0 $0xF7A, s2;
	p2 =	seq.s32 @!p0 s5, $0x0  }
0x1f: {  	s9 =	smul.u32 $0xF7A, s1;
	s8 =	simm.s32 @!p0 $0x1BF5;
	p2 =	por !p2, p0  }
0x20: {  	[sflag:s8] =	ssyncset.s32 @!p0 $0xFFFFF086;
	s6 =	sadd.s32 @!p0 s3, s7;
	s7 =	simm.s32 @!p0 $0x108  }
0x21: {  	s3 =	sadd.s32 s3, s9;
	s6 =	sadd.s32 @!p0 $0x88, s6;
	s7 =	simm.s32 @p2 $0x1082  }
0x22: {  	[simem:s7], [sflag:s8] =	dma.local @!p0 [hbm:s6], $0xF7A  }
0x23: {  	s9 =	sor.u32 $0xD0000000, s2;
	s6 =	simm.s32 $0x108;
	_ =	swait.ge @!p0 [sflag:s8], $0x0  }
0x24: {  	s3 =	sadd.s32 $0x88, s3;
	s6 =	simm.s32 @!p1 $0x1082;
	[sflag:s4] =	ssyncset.s32 $0xFFFFF086  }
0x25: {  	[simem:s6], [sflag:s4] =	dma.local [hbm:s3], $0xF7A  }
0x26: {  	[smem:$0x3F6E] =	sst s1;
	(tag) =	ssettag s2;
	_ =	strace s9  }
0x27: {  	s1 =	sld [smem:$0x3F7E]  }
0x28: {  	s2 =	sld [smem:$0x3F7F]  }
0x29: {  	s4 =	sld [smem:$0x3F81]  }
0x2a: {  	p0 =	seq.s32 s5, $0x0;
	s5 =	sld [smem:$0x3F82]  }
0x2b: {  	s6 =	sld [smem:$0x3F83]  }
0x2c: {  	s7 =	sld [smem:$0x3F84]  }
0x2d: {  	s3 =	simm.s32 $0x108;
	s8 =	sld [smem:$0x3F85]  }
0x2e: {  	s3 =	simm.s32 @!p0 $0x1082;
	s9 =	sld [smem:$0x3F86]  }
0x2f: {  	lr =	sadd.s32 s0, s3;
	s0 =	sld [smem:$0x3F7D]  }
0x30: {  	s3 =	sld [smem:$0x3F80]  }
0x31: {  	[smem:$0x3F89] =	sst s10  }
0x32: {  	s10 =	sld [smem:$0x3F87];
	_ =	sdelay $0x3  }
0x33: {  	p0 =	seq.s32 s10, $0x1;
	s10 =	sld [smem:$0x3F89];
	_ =	sdelay $0x3  }
0x34: {  	[smem:$0x3F89] =	sst s10  }
0x35: {  	s10 =	sld [smem:$0x3F88];
	_ =	sdelay $0x3  }
0x36: {  	p1 =	seq.s32 s10, $0x1;
	s10 =	sld [smem:$0x3F89];
	_ =	sdelay $0x3  }
0x37: {  	[smem:$0x3F89] =	sst s10  }
0x38: {  	s10 =	sld [smem:$0x3F8A]  }
0x39: {  	_ = 	snop;
	(pc) =	sbr.ind lr, $3  }
0x3a: {  	_ = 	snop  }
0x3b: {  	_ = 	snop  }
0x3c: {  	p2 =	seq.s32 s10, $0x1;
	s10 =	sld [smem:$0x3F89]  }
0x3d: {  	_ =	shalt  }
0x3e: {  	_ =	shalt  }
0x3f: {  	_ =	shalt  }
0x40: {  	_ =	shalt  }
0x41: {  	_ =	shalt  }
0x42: {  	_ =	shalt  }
0x43: {  	_ =	shalt  }
0x44: {  	_ =	shalt  }
0x45: {  	_ =	shalt  }
0x46: {  	_ =	shalt  }
0x47: {  	_ =	shalt  }
0x48: {  	_ =	shalt  }
0x49: {  	_ =	shalt  }
0x4a: {  	_ =	shalt  }
0x4b: {  	_ =	shalt  }
0x4c: {  	_ =	shalt  }
0x4d: {  	_ =	shalt  }
0x4e: {  	_ =	shalt  }
0x4f: {  	_ =	shalt  }
0x50: {  	_ =	shalt  }
0x51: {  	_ =	shalt  }
0x52: {  	_ =	shalt  }
0x53: {  	_ =	shalt  }
0x54: {  	_ =	shalt  }
0x55: {  	_ =	shalt  }
0x56: {  	_ =	shalt  }
0x57: {  	_ =	shalt  }
0x58: {  	_ =	shalt  }
0x59: {  	_ =	shalt  }
0x5a: {  	_ =	shalt  }
0x5b: {  	_ =	shalt  }
0x5c: {  	_ =	shalt  }
0x5d: {  	_ =	shalt  }
0x5e: {  	_ =	shalt  }
0x5f: {  	_ =	shalt  }
0x60: {  	_ =	shalt  }
0x61: {  	_ =	shalt  }
0x62: {  	_ =	shalt  }
0x63: {  	_ =	shalt  }
0x64: {  	_ =	shalt  }
0x65: {  	_ =	shalt  }
0x66: {  	_ =	shalt  }
0x67: {  	_ =	shalt  }
0x68: {  	_ =	shalt  }
0x69: {  	_ =	shalt  }
0x6a: {  	_ =	shalt  }
0x6b: {  	_ =	shalt  }
0x6c: {  	_ =	shalt  }
0x6d: {  	_ =	shalt  }
0x6e: {  	_ =	shalt  }
0x6f: {  	_ =	shalt  }
0x70: {  	_ =	shalt  }
0x71: {  	_ =	shalt  }
0x72: {  	_ =	shalt  }
0x73: {  	_ =	shalt  }
0x74: {  	_ =	shalt  }
0x75: {  	_ =	shalt  }
0x76: {  	_ =	shalt  }
0x77: {  	_ =	shalt  }
0x78: {  	_ =	shalt  }
0x79: {  	_ =	shalt  }
0x7a: {  	_ =	shalt  }
0x7b: {  	_ =	shalt  }
0x7c: {  	_ =	shalt  }
0x7d: {  	_ =	shalt  }
0x7e: {  	_ =	shalt  }
0x7f: {  	_ =	shalt  }
0x80: {  	_ =	shalt  }
0x81: {  	_ =	shalt  }
0x82: {  	_ =	shalt  }
0x83: {  	_ =	shalt  }
0x84: {  	_ =	shalt  }
0x85: {  	_ =	shalt  }
0x86: {  	_ =	shalt  }
0x87: {  	_ =	shalt  }
.Lfunc_end0:
.L_simem_size_0:
called_computation.1_lowered:
.L_overlay_start_0:
0x88: {  	s2 =	sld [smem:$0x3FD9]  }
0x89: {  	s3 =	sld [smem:$0x3FFE];
	_ =	sdelay $0x1  }
0x8a: {  	s1 =	srdreg.scid  }
0x8b: {  	s0 =	sand.u32 $0x1, s1  }
0x8c: {  	s14 =	sshll.u32 s0, $0xA;
	s2 =	sadd.s32 s3, s2  }
0x8d: {  	s2 =	sadd.s32 s2, s14  }
0x8e: {  	[smem:$0x3F95] =	sst s2  }
0x8f: {  	_ = 	snop  }
0x90: {  	s2 =	sld [smem:$0x3FD0];
	_ =	sdelay $0x2  }
0x91: {  	s15 =	simm.s32 $0xB;
	s4 =	simm.s32 $0x10  }
0x92: {  	[smem:s4], [sflag:s15] =	dma.local [hbm:s2], $0x1  }
0x93: {  	_ =	swait.eq [sflag:s15], $0x1  }
0x94: {  	[sflag:s15] =	ssyncset.done $0x0  }
0x95: {  	[sflag:s15] =	ssyncadd.s32 $0xFFFFFFFF  }
0x96: {  	s16 =	sld [smem:$0x12];
	(tm) =	ssettm $0x1  }
0x97: {  	s17 =	sld [smem:$0x3FFB];
	_ =	sdelay $0x3  }
0x98: {  	_ =	strace s17  }
0x99: {  	s3 =	sld [smem:$0x3FFC];
	_ =	sdelay $0x3  }
0x9a: {  	_ =	strace s3  }
0x9b: {  	s3 =	sld [smem:$0x3FFD];
	_ =	sdelay $0x3  }
0x9c: {  	_ =	strace s3  }
0x9d: {  	_ =	strace $0x8FFFFFFF  }
0x9e: {  	s18 =	sld [smem:$0x3FDB];
	_ =	sdelay $0x1  }
0x9f: {  	s19 =	simm.s32 $_scs_section_size  }
0xa0: {  	s5 =	simm.s32 $_size__tile_overlayer_lowered;
	s6 =	simm.s32 $_tile_overlayer_lowered  }
0xa1: {  	s22 =	simm.s32 $0x1BFF;
	s21 =	sshll.u32 s6, $0x1;
	s3 =	sadd.s32 s19, s18  }
0xa2: {  	s7 =	simm.s32 $0x0;
	s20 =	sshll.u32 s5, $0x1;
	s5 =	sadd.s32 s21, s3  }
0xa3: {  	[timem:s7], [sflag:s22] =	dma.local [hbm:s5], s20  }
0xa4: {  	_ =	swait.ge [sflag:s22], s20  }
0xa5: {  	s4 =	ssub.s32 $0x0, s20;
	[sflag:s22] =	ssyncset.done $0x0  }
0xa6: {  	[sflag:s22] =	ssyncadd.s32 s4;
	_ =	sdelay $0x1  }
0xa7: {  	s23 =	simm.s32 $0x1B8B  }
0xa8: {  	_ =	swait.ge [sflag:s23], $0x1  }
0xa9: {  	[sflag:s23] =	ssyncset.done $0x0  }
0xaa: {  	s25 =	simm.s32 $0x1B8E;
	s24 =	sld [smem:$0x3FFE];
	[sflag:s23] =	ssyncadd.s32 $0xFFFFFFFF  }
0xab: {  	s26 =	simm.s32 $execute0_lowered;
	[smem:$0x3FD2] =	sst s25  }
0xac: {  	s5 =	sshll.u32 s26, $0x1;
	_ =	strace $0x80000046;
	[dreg:$0x1] =	wrdreg $0xFFFFFFFF  }
0xad: {  	s28 =	simm.s32 $_size_execute0_lowered;
	s3 =	sadd.s32 s3, s5;
	[dreg:$0x0] =	wrdreg $0x0  }
0xae: {  	s5 =	sshll.u32 s28, $0x1;
	[dreg:$0x2] =	wrdreg s3  }
0xaf: {  	[dreg:$0x3] =	wrdreg s5  }
0xb0: {  	[dreg:$0x4] =	wrdreg $0xC0  }
0xb1: {  	_ =	task [dreg:s7], $0x5FFFF  }
0xb2: {  	[dreg:$0x1] =	wrdreg $0xFFFFFFFF  }
0xb3: {  	[dreg:$0x0] =	wrdreg $0x60  }
0xb4: {  	[dreg:$0x2] =	wrdreg s24  }
0xb5: {  	[dreg:$0x3] =	wrdreg s16  }
0xb6: {  	[dreg:$0x4] =	wrdreg $0x9  }
0xb7: {  	_ =	task.clear_ibuf [dreg:s7], $0x5FFFF;
	_ =	strace $0x90000046  }
0xb8: {  	s29 =	simm.s32 $0x9;
	_ =	strace $0x80000048  }
0xb9: {  	_ =	swait.ge [sflag:s29], $0x1  }
0xba: {  	[sflag:s29] =	ssyncadd.s32 $0xFFFFFFFF  }
0xbb: {  	_ =	strace $0x90000048  }
0xbc: {  	_ =	sfence  }
0xbd: {  	s30 =	sld [smem:$0x0];
	_ =	sdelay $0x2  }
0xbe: {  	s31 =	sshll.u32 s1, $0xD;
	s1 =	sshrl.u32 s1, $0x2  }
0xbf: {  	s3 =	sand.u32 $0x4000, s31;
	s1 =	sadd.s32 s1, s30  }
0xc0: {  	s0 =	sor.u32 s3, s0;
	s1 =	sshll.u32 s1, $0x11  }
0xc1: {  	s0 =	sor.u32 s1, s0  }
0xc2: {  	s0 =	sadd.s32 $0x8F2B, s0  }
0xc3: {  	[sflag:s0] =	ssyncadd.remote.s32 $0x1  }
0xc4: {  	_ =	sfence.sel $0xFFFF  }
0xc5: {  	[dreg:$0x0] =	wrdreg $0xFFFFFFFF;
	(pc) =	sbr.abs _section_cstart, $3  }
0xc6: {  	[dreg:$0x1] =	wrdreg $0xFFFFFFFF  }
0xc7: {  	_ =	task.clear_ibuf [dreg:s7], $0x2FFFF;
	_ =	strace $0x9FFFFFFF  }
0xc8: {  	(tm) =	ssettm $0x7FFFFFFF  }
0xc9: {  	_ =	shalt  }
tec
execute0_lowered:
.L_overlay_start_1:
0x0: {  	(tag) =	ssettag $0x1  }
0x1: {  	s2 =	rddreg [dreg:$0x0]  }
0x2: {  	s3 =	rddreg [dreg:$0x1]  }
0x3: {  	s0 =	rddreg [dreg:$0x2];
	s1 =	srdreg.scid;
	_ =	strace $0x80000047  }
0x4: {  	s4 =	simm.s32 $0x1;
	s9 =	simm.s32 $0x3;
	s5 =	sshll.u32 s1, $0x4  }
.Ltmp0:
0x5: {  	s1 =	stileid.u32;
	s5 =	sand.u32 $0x10, s5;
	(pc) =	sbr.rel .LBB2_1-.Ltmp0, $4  }
0x6: {  	s12 =	simm.s32 $0x0;
	s10 =	simm.s32 $0x0;
	s6 =	sor.u32 s1, s5  }
0x7: {  	[sflag:s4] =	ssyncpa.u1 $0x0;
	s5 =	simm.s32 $0x2;
	s6 =	sshll.u32 s6, $0x8  }
0x8: {  	s7 =	sadd.s32 $0x100000, s2;
	[sflag:s5] =	ssyncpa.u1 $0x0;
	s8 =	sadd.s32 $0x100, s6  }
0x9: {  	vm0 =	vmmov $0xff;
	vm1 =	vcmask $0x3F20;
	[sflag:s9] =	ssyncpa.u1 $0x0;
	s9 =	simm.s32 $0x100;
	s11 =	smov.u32 s6  }
.LBB2_9:
0xa: {  	p0 =	seq.s32 s10, $0x2  }
.Ltmp1:
0xb: {  	_ = 	snop;
	(pc) =	sbr.rel @p0 .LBB2_11-.Ltmp1, $1  }
0xc: {  	_ =	sdelay $0x3  }
.LBB2_10:
0xd: {  	s12 =	sadd.s32 $0x100, s11  }
0xe: {  	s13 =	smov.u32 s6;
	p0 =	slt.s32 s12, s8  }
0xf: {  	s13 =	smov.u32 @p0 s12  }
0x10: {  	s10 =	sadd.s32 $0x1, s10;
	s12 =	smov.u32 s11;
	s11 =	smov.u32 s13  }
.LBB2_1:
0x11: {  	p0 =	sne.s32 s10, $0x0  }
.Ltmp2:
0x12: {  	_ = 	snop;
	(pc) =	sbr.rel @!p0 .LBB2_2-.Ltmp2, $1  }
0x13: {  	_ =	sdelay $0x3  }
0x14: {  	s13 =	sand.u32 $0x1, s10  }
0x15: {  	p0 =	seq.s32 s13, $0x0  }
.Ltmp3:
0x16: {  	_ = 	snop;
	(pc) =	sbr.rel @p0 .LBB2_9-.Ltmp3, $1  }
0x17: {  	_ =	sdelay $0x3  }
0x18: {  	_ =	swait.ge [sflag:s5], $0x100  }
0x19: {  	[sflag:s5] =	ssyncset.done $0x0  }
0x1a: {  	s13 =	simm.s32 $0x0;
	[sflag:s5] =	ssyncadd.s32 $0xFFFFFF00  }
0x1b: {  	v0 =	vld.msk [tilespmem:s13+$0x100 ss:$0x1], $0xffff;
	_ =	sdelay $0x4  }
0x1c: {  	v1 =	vshll.u32 v0, $0x4  }
0x1d: {  	vm2 =	veq.s32 v0, $0x80000000;
	v0 =	vshll.u32 v0, $0x13;
	v1 =	vand.u32 $0x7FF80, v1  }
0x1e: {  	v0 =	vand.u32 $0x380000, v0;
	v1 =	vsel vm2, $0xFFFFFF80, v1  }
0x1f: {  	v0 =	vsel vm2, $0xFFF80000, v0;
	v2 =	vand.u32 $0xFFFFFC00, v1  }
0x20: {  	v1 =	vand.u32 $0x380, v1;
	v0 =	vadd.s32 v0, v2  }
0x21: {  	v0 =	vor.u32 v1, v0  }
0x22: {  	v0 =	vshrl.u32 v0, $0x3;
	_ =	sdelay $0x3  }
0x23: {  	s13 =	simm.s32 $0x8200  }
0x24: {  	[tilespmem:s13], [sflag:$0x1] =	stream.indirect_vreg.gather [hbm:s2], $0x80, v0, vm0, $0x38;
	[tilespmem:$0x10200] =	vst v63  }
0x25: {  	s14 =	simm.s32 $0x8600;
	s31 =	simm.s32 $0x10  }
0x26: {  	[tilespmem:s14], [sflag:$0x1] =	stream.indirect_vreg.gather [hbm:s2], $0x80, v0, vm1, $0x38;
	[tilespmem:$0x10200] =	vst v63  }
0x27: {  	s14 =	simm.s32 $0x80;
	v0 =	vld.msk [tilespmem:s31+$0x100 ss:$0x1], $0xffff  }
.LBB2_5:
0x28: {  	p0 =	sne.s32 s14, $0x3C0;
	_ =	sdelay $0x4  }
0x29: {  	v1 =	vshll.u32 v0, $0x4  }
0x2a: {  	vm2 =	veq.s32 v0, $0x80000000;
	v0 =	vshll.u32 v0, $0x13;
	v1 =	vand.u32 $0x7FF80, v1  }
0x2b: {  	v0 =	vand.u32 $0x380000, v0;
	v1 =	vsel vm2, $0xFFFFFF80, v1  }
0x2c: {  	v0 =	vsel vm2, $0xFFF80000, v0;
	v2 =	vand.u32 $0xFFFFFC00, v1  }
0x2d: {  	v1 =	vand.u32 $0x380, v1;
	v0 =	vadd.s32 v0, v2  }
0x2e: {  	v0 =	vor.u32 v1, v0  }
0x2f: {  	v0 =	vshrl.u32 v0, $0x3;
	_ =	sdelay $0x3  }
.Ltmp4:
0x30: {  	s13 =	sadd.s32 $0x800, s13;
	(pc) =	sbr.rel @p0 .LBB2_5-.Ltmp4, $4  }
0x31: {  	[tilespmem:s13], [sflag:$0x1] =	stream.indirect_vreg.gather [hbm:s2], $0x80, v0, vm0, $0x38;
	[tilespmem:$0x10200] =	vst v63  }
0x32: {  	s15 =	sshra.s32 s14, $0x2;
	s16 =	sadd.s32 $0x400, s13  }
0x33: {  	[tilespmem:s16], [sflag:$0x1] =	stream.indirect_vreg.gather [hbm:s2], $0x80, v0, vm1, $0x38;
	[tilespmem:$0x10200] =	vst v63  }
0x34: {  	s14 =	sadd.s32 $0x40, s14;
	v0 =	vld.msk [tilespmem:s15+$0x100 ss:$0x1], $0xffff  }
0x35: {  	_ =	sdelay $0x3  }
0x36: {  	v1 =	vshll.u32 v0, $0x4  }
0x37: {  	vm2 =	veq.s32 v0, $0x80000000;
	v63 =	vshll.u32 v0, $0x13;
	v1 =	vand.u32 $0x7FF80, v1  }
0x38: {  	v0 =	vand.u32 $0x380000, v63;
	v1 =	vsel vm2, $0xFFFFFF80, v1  }
0x39: {  	v0 =	vsel vm2, $0xFFF80000, v0;
	v2 =	vand.u32 $0xFFFFFC00, v1  }
0x3a: {  	v1 =	vand.u32 $0x380, v1;
	v0 =	vadd.s32 v0, v2  }
0x3b: {  	v0 =	vor.u32 v1, v0  }
0x3c: {  	v0 =	vshrl.u32 v0, $0x3;
	_ =	sdelay $0x3  }
0x3d: {  	s13 =	sadd.s32 $0x800, s13  }
0x3e: {  	[tilespmem:s13], [sflag:$0x1] =	stream.indirect_vreg.gather [hbm:s2], $0x80, v0, vm0, $0x38;
	[tilespmem:$0x10200] =	vst v63  }
0x3f: {  	s13 =	sadd.s32 $0x400, s13  }
0x40: {  	[tilespmem:s13], [sflag:$0x1] =	stream.indirect_vreg.gather [hbm:s2], $0x80, v0, vm1, $0x38;
	[tilespmem:$0x10200] =	vst v63  }
0x41: {  	s12 =	sshll.u32 s12, $0x4;
	s14 =	simm.s32 $0x80;
	_ =	swait.ge [sflag:s4], $0x8000  }
0x42: {  	s15 =	simm.s32 $0x8600;
	s12 =	sadd.s32 s12, s7;
	[sflag:s4] =	ssyncset.done $0x0  }
0x43: {  	s16 =	sadd.s32 $0x0, s12;
	s13 =	simm.s32 $0x8200;
	[sflag:s4] =	ssyncadd.s32 $0xFFFF8000  }
.LBB2_7:
0x44: {  	[hbm:s16] =	stream.linear.scatter [tilespmem:s13], [sflag:$0x3], $0x400, $0x38;
	[tilespmem:$0x10200] =	vst v63  }
0x45: {  	s16 =	smov.u32 s14;
	s13 =	smov.u32 s15;
	p0 =	sne.s32 s14, $0xF80  }
.Ltmp5:
0x46: {  	s14 =	sadd.s32 $0x80, s14;
	(pc) =	sbr.rel @p0 .LBB2_7-.Ltmp5, $2  }
0x47: {  	_ =	sdelay $0x2  }
0x48: {  	s15 =	sadd.s32 $0x400, s15;
	s16 =	sadd.s32 s16, s12  }
.Ltmp6:
0x49: {  	(pc) =	sbr.rel .LBB2_9-.Ltmp6, $2  }
0x4a: {  	_ =	sdelay $0x2  }
0x4b: {  	[hbm:s16] =	stream.linear.scatter [tilespmem:s13], [sflag:$0x3], $0x400, $0x38;
	[tilespmem:$0x10200] =	vst v63  }
.LBB2_2:
.Ltmp7:
0x4c: {  	(pc) =	sbr.rel .LBB2_10-.Ltmp7, $4  }
0x4d: {  	_ = 	snop  }
0x4e: {  	s12 =	sshrl.u32 s11, $0x3  }
0x4f: {  	s13 =	sand.u32 $0x7, s11;
	s12 =	sadd.s32 s3, s12  }
0x50: {  	[tilespmem:s9], [sflag:$0x2] =	stream.linear.gather [hbm4b:s12+s13], $0x100, $0x38;
	[tilespmem:$0x10200] =	vst v63  }
.LBB2_11:
0x51: {  	s2 =	simm.s32 $0x3  }
0x52: {  	_ =	swait.ge [sflag:s2], $0x8000  }
0x53: {  	[sflag:s2] =	ssyncset.done $0x0  }
0x54: {  	[sflag:s2] =	ssyncadd.s32 $0xFFFF8000  }
0x55: {  	_ =	sfence.sel $0x180000  }
0x56: {  	s3 =	simm.s32 $0x2;
	[bflag:$0x0] =	sbarrier.arrive $0xFFFF  }
0x57: {  	[sflag:s3] =	ssyncpa.u1 $0x1  }
0x58: {  	s31 =	simm.s32 $0x1;
	[sflag:s2] =	ssyncpa.u1 $0x1  }
0x59: {  	[sflag:s31] =	ssyncpa.u1 $0x1  }
0x5a: {  	p0 =	sne.s32 s1, $0x0;
	_ =	strace $0x90000047  }
0x5b: {  	s0 =	sadd.s32 @!p0 $0x100000, s0;
	[bflag:$0x2] =	sbarrier.arrive $0xFFFF  }
0x5c: {  	[sflag:s0] =	ssyncadd.tile.s32 @!p0 $0x1;
	_ =	shalt  }
.Lfunc_end2:
_tile_overlayer_lowered:
.L_overlay_start_2:
0x5d: {  	(tag) =	ssettag $0x2  }
0x5e: {  	s0 =	rddreg [dreg:$0x0];
	s2 =	stileid.u32  }
0x5f: {  	s1 =	rddreg [dreg:$0x1];
	p0 =	sne.s32 s2, $0x0  }
0x60: {  	s3 =	rddreg [dreg:$0x2];
	[bflag:$0x3] =	sbarrier.arrive $0xFFFF;
	s2 =	simm.s32 @!p0 $0x1C01  }
0x61: {  	[timem:s3], [sflag:s2] =	dma.local @!p0 [hbm:s0], s1  }
0x62: {  	s0 =	simm.s32 @!p0 $0x1  }
0x63: {  	_ =	swait.ge @!p0 [sflag:s0], s1  }
0x64: {  	s1 =	ssub.s32 @!p0 $0x0, s1;
	[sflag:s0] =	ssyncset.done @!p0 $0x0  }
0x65: {  	[sflag:s0] =	ssyncadd.s32 @!p0 s1  }
0x66: {  	[bflag:$0x3] =	sbarrier.arrive $0xFFFF  }
0x67: {  	_ =	shalt  }

// kernel: sparse-core-data-format-call.cloned.1.call-start
scs
called_computation_lowered:
.L_overlay_start_0:
0x0: {  	s2 =	sld [smem:$0x3FD9]  }
0x1: {  	s3 =	sld [smem:$0x3FFE];
	_ =	sdelay $0x1  }
0x2: {  	s1 =	srdreg.scid  }
0x3: {  	s0 =	sand.u32 $0x1, s1  }
0x4: {  	s18 =	sshll.u32 s0, $0xA;
	s2 =	sadd.s32 s3, s2  }
0x5: {  	s2 =	sadd.s32 s2, s18  }
0x6: {  	[smem:$0x3F95] =	sst s2  }
0x7: {  	_ = 	snop  }
0x8: {  	(tm) =	ssettm $0x1  }
0x9: {  	s19 =	sld [smem:$0x3FFB];
	_ =	sdelay $0x3  }
0xa: {  	_ =	strace s19  }
0xb: {  	s2 =	sld [smem:$0x3FFC];
	_ =	sdelay $0x3  }
0xc: {  	_ =	strace s2  }
0xd: {  	s2 =	sld [smem:$0x3FFD];
	_ =	sdelay $0x3  }
0xe: {  	_ =	strace s2  }
0xf: {  	_ =	strace $0x8FFFFFFF  }
0x10: {  	s20 =	sld [smem:$0x3FDB];
	_ =	sdelay $0x1  }
0x11: {  	s21 =	simm.s32 $_scs_section_size  }
0x12: {  	s4 =	simm.s32 $_size__tile_overlayer_lowered;
	s5 =	simm.s32 $_tile_overlayer_lowered  }
0x13: {  	s6 =	simm.s32 $0x1BFF;
	s22 =	sshll.u32 s5, $0x1;
	s3 =	sadd.s32 s21, s20  }
0x14: {  	s23 =	simm.s32 $0x0;
	s4 =	sshll.u32 s4, $0x1;
	s5 =	sadd.s32 s22, s3  }
0x15: {  	[timem:s23], [sflag:s6] =	dma.local [hbm:s5], s4  }
0x16: {  	_ =	swait.ge [sflag:s6], s4  }
0x17: {  	s4 =	ssub.s32 $0x0, s4;
	[sflag:s6] =	ssyncset.done $0x0  }
0x18: {  	[sflag:s6] =	ssyncadd.s32 s4;
	_ =	sdelay $0x1  }
0x19: {  	s24 =	simm.s32 $0x1B8B  }
0x1a: {  	_ =	swait.ge [sflag:s24], $0x1  }
0x1b: {  	[sflag:s24] =	ssyncset.done $0x0  }
0x1c: {  	[sflag:s24] =	ssyncadd.s32 $0xFFFFFFFF  }
0x1d: {  	s4 =	sld [smem:$0x0]  }
0x1e: {  	s5 =	sand.u32 $0xFFFFFFFE, s1  }
0x1f: {  	p0 =	sne.s32 s1, s5  }
0x20: {  	s5 =	sshll.u32 @p0 s5, $0xE  }
0x21: {  	s5 =	sadd.s32 @p0 $0x11B8D, s5;
	s6 =	sshll.u32 @p0 s4, $0x11  }
0x22: {  	s5 =	sor.u32 @p0 s6, s5  }
0x23: {  	[sflag:s5] =	ssyncadd.remote.s32 @p0 $0x1;
	_ =	sdelay $0x1  }
0x24: {  	s5 =	simm.s32 @p0 $0x1B8D  }
0x25: {  	_ =	swait.eq @p0 [sflag:s5], $0x1  }
0x26: {  	[sflag:s5] =	ssyncadd.s32 @p0 $0xFFFFFFFF  }
0x27: {  	s6 =	sshll.u32 @!p0 s1, $0xE  }
0x28: {  	s6 =	sor.u32 @!p0 $0x4000, s6;
	s5 =	simm.s32 @!p0 $0x1B8D  }
0x29: {  	s4 =	sshll.u32 @!p0 s4, $0x11;
	s6 =	sadd.s32 @!p0 $0x11B8D, s6;
	_ =	swait.eq @!p0 [sflag:s5], $0x1  }
0x2a: {  	s4 =	sor.u32 @!p0 s4, s6;
	[sflag:s5] =	ssyncadd.s32 @!p0 $0xFFFFFFFF  }
0x2b: {  	s26 =	simm.s32 $0x1B8E;
	s25 =	sld [smem:$0x3FFE];
	[sflag:s4] =	ssyncadd.remote.s32 @!p0 $0x1  }
0x2c: {  	s27 =	simm.s32 $execute0_lowered;
	[smem:$0x3FD2] =	sst s26  }
0x2d: {  	s5 =	sshll.u32 s27, $0x1;
	_ =	strace $0x8000004C;
	[dreg:$0x1] =	wrdreg $0xFFFFFFFF  }
0x2e: {  	s28 =	simm.s32 $_size_execute0_lowered;
	s3 =	sadd.s32 s3, s5;
	[dreg:$0x0] =	wrdreg $0x0  }
0x2f: {  	s5 =	sshll.u32 s28, $0x1;
	[dreg:$0x2] =	wrdreg s3  }
0x30: {  	[dreg:$0x3] =	wrdreg s5  }
0x31: {  	[dreg:$0x4] =	wrdreg $0xC0  }
0x32: {  	_ =	task [dreg:s23], $0x5FFFF  }
0x33: {  	[dreg:$0x1] =	wrdreg $0xFFFFFFFF  }
0x34: {  	[dreg:$0x0] =	wrdreg $0x60  }
0x35: {  	[dreg:$0x2] =	wrdreg s25  }
0x36: {  	[dreg:$0x3] =	wrdreg $0x9  }
0x37: {  	_ =	task.clear_ibuf [dreg:s23], $0x4FFFF;
	_ =	strace $0x9000004C  }
0x38: {  	s29 =	simm.s32 $0x9;
	_ =	strace $0x8000004E  }
0x39: {  	_ =	swait.ge [sflag:s29], $0x1  }
0x3a: {  	[sflag:s29] =	ssyncadd.s32 $0xFFFFFFFF  }
0x3b: {  	_ =	strace $0x9000004E  }
0x3c: {  	_ =	sfence  }
0x3d: {  	s30 =	sld [smem:$0x0];
	_ =	sdelay $0x2  }
0x3e: {  	s31 =	sshll.u32 s1, $0xD;
	s1 =	sshrl.u32 s1, $0x2  }
0x3f: {  	s4 =	sand.u32 $0x4000, s31;
	s1 =	sadd.s32 s1, s30  }
0x40: {  	s0 =	sor.u32 s4, s0;
	s1 =	sshll.u32 s1, $0x11  }
0x41: {  	s0 =	sor.u32 s1, s0  }
0x42: {  	s0 =	sadd.s32 $0x8F2B, s0  }
0x43: {  	[sflag:s0] =	ssyncadd.remote.s32 $0x1  }
0x44: {  	_ =	sfence.sel $0xFFFF  }
0x45: {  	[dreg:$0x0] =	wrdreg $0xFFFFFFFF;
	(pc) =	sbr.abs _section_cstart, $3  }
0x46: {  	[dreg:$0x1] =	wrdreg $0xFFFFFFFF  }
0x47: {  	_ =	task.clear_ibuf [dreg:s23], $0x2FFFF;
	_ =	strace $0x9FFFFFFF  }
0x48: {  	(tm) =	ssettm $0x7FFFFFFF  }
0x49: {  	_ =	shalt  }
tec
execute0_lowered:
.L_overlay_start_1:
0x0: {  	(tag) =	ssettag $0x1  }
0x1: {  	s0 =	stileid.u32;
	s1 =	srdreg.scid  }
0x2: {  	s4 =	rddreg [dreg:$0x0];
	s7 =	simm.s32 $0x1;
	s31 =	simm.s32 $0x2  }
0x3: {  	s16 =	simm.s32 $0x0;
	s2 =	sshll.u32 s0, $0x4;
	s1 =	sshll.u32 s1, $0x8  }
0x4: {  	s9 =	simm.s32 $0x2000;
	s14 =	simm.s32 $0x0;
	s1 =	sor.u32 s2, s1  }
0x5: {  	s15 =	simm.s32 $0x0;
	s10 =	simm.s32 $0x0;
	s2 =	sand.u32 $0x180, s1  }
0x6: {  	s13 =	simm.s32 $0x0;
	s3 =	sadd.s32 $0x1AE800, s4;
	s5 =	ssub.s32 $0x400, s2  }
0x7: {  	s4 =	sadd.s32 $0x5D8C00, s4;
	s1 =	rddreg [dreg:$0x1];
	s6 =	sand.u32 $0x180, s5  }
.Ltmp0:
0x8: {  	_ =	strace $0x8000004D;
	p0 =	sne.s32 s6, $0x0;
	(pc) =	sbr.rel .LBB1_1-.Ltmp0, $4  }
0x9: {  	s11 =	smov.u32 s2;
	s8 =	sshrl.u32 s5, $0x9;
	s7 =	simm.s32 @!p0 $0x0  }
0xa: {  	s5 =	sand.u32 $0x7, s0;
	s6 =	simm.s32 $0x1;
	s7 =	sadd.s32 s7, s8  }
0xb: {  	s12 =	smov.u32 s5;
	[sflag:s6] =	ssyncpa.u1 $0x0;
	s7 =	sshll.u32 s7, $0x5  }
0xc: {  	p0 =	por $0x0, $0x0;
	[sflag:s31] =	ssyncpa.u1 $0x0;
	s8 =	sor.u32 $0x1, s7  }
.LBB1_4:
0xd: {  	v5 =	vld [tilespmem:s20+$0xFFFFFFD0];
	[tilespmem:s19+$0x2040 ss:$0x81] =	vst.msk $0xffff, v1  }
0xe: {  	v58 =	vld [tilespmem:s20+$0xFFFFFFE0];
	[tilespmem:s19+$0x2850 ss:$0x81] =	vst.msk $0xffff, v2  }
0xf: {  	s21 =	sshra.s32 s21, $0x2;
	v59 =	vld [tilespmem:s20+$0xFFFFFFF0];
	[tilespmem:s19+$0x3060 ss:$0x81] =	vst.msk $0xffff, v3  }
0x10: {  	v60 =	vld [tilespmem:s20+$0x0];
	[tilespmem:s19+$0x0 ss:$0x81] =	vst.msk $0xffff, v0;
	s18 =	sadd.s32 s21, s18  }
0x11: {  	v61 =	vld [tilespmem:s20+$0x10];
	[tilespmem:s18+$0x3870 ss:$0x81] =	vst.msk $0xffff, v4  }
0x12: {  	v62 =	vld [tilespmem:s20+$0x20];
	s26 =	sshll.u32 s16, $0xA;
	s27 =	sshll.u32 s14, $0x3;
	[tilespmem:s18+$0x810 ss:$0x81] =	vst.msk $0xffff, v5  }
0x13: {  	v63 =	vld [tilespmem:s20+$0xFFFFFFC0];
	s29 =	sshll.u32 s16, $0x7;
	s30 =	sand.u32 $0x78, s14;
	s15 =	sshll.u32 s15, $0x13;
	[tilespmem:s18+$0x1020 ss:$0x81] =	vst.msk $0xffff, v58  }
0x14: {  	s19 =	sand.u32 $0x3FE000, s26;
	s28 =	sand.u32 $0x3FFC00, s27;
	s16 =	sand.u32 $0x380, s29;
	[tilespmem:s18+$0x1830 ss:$0x81] =	vst.msk $0xffff, v59  }
0x15: {  	s31 =	sand.u32 $0x7, s14;
	s19 =	sadd.s32 s28, s19;
	s16 =	sor.u32 s30, s16;
	[tilespmem:s18+$0x2040 ss:$0x81] =	vst.msk $0xffff, v60  }
0x16: {  	s15 =	sadd.s32 s4, s15;
	s19 =	sshrl.u32 s19, $0x3;
	s16 =	sshrl.u32 s16, $0x3;
	[tilespmem:s18+$0x2850 ss:$0x81] =	vst.msk $0xffff, v61  }
0x17: {  	s14 =	sshll.u32 s31, $0x12;
	s19 =	sand.u32 $0x7FF80, s19;
	s15 =	sadd.s32 s16, s15;
	[tilespmem:s18+$0x3060 ss:$0x81] =	vst.msk $0xffff, v62  }
0x18: {  	s14 =	sor.u32 $0x400, s14;
	[tilespmem:s18+$0x0 ss:$0x81] =	vst.msk $0xffff, v63;
	s15 =	sadd.s32 s19, s15  }
0x19: {  	[hbm4b:s15+s14] =	stream.strided.scatter [tilespmem:s17], [sflag:$0x2], $0x4000, s9, s14, $0x20;
	[tilespmem:$0x10100] =	vst v63  }
.LBB1_5:
0x1a: {  	s17 =	sadd.s32 $0x80, s10  }
0x1b: {  	s14 =	sadd.s32 $0x200, s11;
	s18 =	smov.u32 s11;
	p2 =	sgt.s32 s17, $0xFFF  }
0x1c: {  	s18 =	smov.u32 @p2 s14  }
0x1d: {  	s20 =	smov.u32 s12;
	s14 =	sadd.s32 $0x8, s12;
	p3 =	sgt.s32 s18, $0x3FF  }
0x1e: {  	s20 =	smov.u32 @p3 s14  }
0x1f: {  	s17 =	simm.s32 @p2 $0x0;
	p2 =	sgt.s32 s20, $0x7  }
0x20: {  	p1 =	slt.u32 s13, $0x2;
	s20 =	smov.u32 @p2 s5;
	p2 =	sne.s32 s13, s8  }
.Ltmp1:
0x21: {  	s19 =	simm.s32 @!p1 $0x2;
	(pc) =	sbr.rel @!p2 .LBB1_6-.Ltmp1, $4  }
0x22: {  	s16 =	smov.u32 s10;
	s15 =	smov.u32 s12;
	_ =	swait.ge @!p1 [sflag:s19], $0x4000  }
0x23: {  	p0 =	por !p0, !p0;
	[sflag:s19] =	ssyncset.done @!p1 $0x0;
	s10 =	smov.u32 s17  }
0x24: {  	s18 =	smov.u32 @p3 s2;
	s14 =	smov.u32 s11;
	[sflag:s19] =	ssyncadd.s32 @!p1 $0xFFFFC000  }
0x25: {  	s11 =	smov.u32 s18;
	s13 =	sadd.s32 $0x1, s13;
	s12 =	smov.u32 s20  }
.LBB1_1:
0x26: {  	p1 =	sge.u32 s13, s7;
	s31 =	sadd.s32 $0xFFFFFFFF, s13  }
0x27: {  	s17 =	sxor.u32 @!p1 $0xFFFFFFFF, s13;
	s18 =	sand.u32 @!p1 $0x78, s10;
	s19 =	sshll.u32 @!p1 s11, $0xC  }
0x28: {  	s20 =	sshll.u32 @!p1 s11, $0x7;
	s21 =	sshll.u32 @!p1 s10, $0x3;
	s17 =	sshll.u32 @!p1 s17, $0xE  }
0x29: {  	s19 =	sand.u32 @!p1 $0x3F8000, s19;
	s20 =	sand.u32 @!p1 $0x380, s20;
	s17 =	sand.u32 @!p1 $0x4000, s17  }
0x2a: {  	s19 =	sadd.s32 @!p1 s19, s21;
	s21 =	sand.u32 @!p1 $0xC00, s21;
	s18 =	sor.u32 @!p1 s20, s18  }
0x2b: {  	s20 =	sshll.u32 @!p1 s12, $0x13;
	s18 =	sor.u32 @!p1 s21, s18;
	s19 =	sshrl.u32 @!p1 s19, $0x3  }
0x2c: {  	s20 =	sadd.s32 @!p1 s3, s20;
	s21 =	sand.u32 @!p1 $0x7, s10;
	s19 =	sand.u32 @!p1 $0x7FE00, s19  }
0x2d: {  	s18 =	sshrl.u32 @!p1 s18, $0x3;
	s19 =	sadd.s32 @!p1 s19, s20;
	s20 =	sshll.u32 @!p1 s21, $0x12  }
0x2e: {  	s18 =	sadd.s32 @!p1 s18, s19;
	s19 =	sor.u32 @!p1 $0x400, s20;
	s20 =	simm.s32 @!p1 $0x8000  }
0x2f: {  	[tilespmem:s17], [sflag:$0x1] =	stream.strided.gather @!p1 [hbm4b:s18+s19], $0x4000, s20, s19, $0x38;
	[tilespmem:$0x10100] =	vst v63  }
0x30: {  	p1 =	sge.u32 s31, s7  }
.Ltmp2:
0x31: {  	_ = 	snop;
	(pc) =	sbr.rel @p1 .LBB1_5-.Ltmp2, $1  }
0x32: {  	_ =	sdelay $0x3  }
0x33: {  	s17 =	simm.s32 $0x1  }
0x34: {  	_ =	swait.ge [sflag:s6], $0x4000;
	s17 =	simm.s32 @!p0 $0x0  }
0x35: {  	[sflag:s6] =	ssyncset.done $0x0;
	s18 =	sshll.u32 s17, $0xE  }
0x36: {  	[sflag:s6] =	ssyncadd.s32 $0xFFFFC000;
	s20 =	sor.u32 $0x40, s18  }
0x37: {  	s17 =	smul.u32 $0x10200, s17;
	v0 =	vld [tilespmem:s20+$0x30]  }
0x38: {  	v3 =	vld [tilespmem:s20+$0xFFFFFFD0]  }
0x39: {  	s17 =	sshrl.u32 s17, $0x2;
	v4 =	vld [tilespmem:s20+$0xFFFFFFE0]  }
0x3a: {  	v5 =	vld [tilespmem:s20+$0xFFFFFFF0];
	s18 =	sor.u32 $0x8000, s17  }
0x3b: {  	s31 =	sand.u32 $0x1, s13;
	v1 =	vld [tilespmem:s20+$0x0];
	s19 =	sadd.s32 $0x0, s18  }
0x3c: {  	v2 =	vld [tilespmem:s20+$0x10];
	s17 =	smul.u32 $0x10200, s31;
	[tilespmem:s19+$0x3870 ss:$0x81] =	vst.msk $0xffff, v0  }
0x3d: {  	[tilespmem:s19+$0x810 ss:$0x81] =	vst.msk $0xffff, v3;
	v3 =	vld [tilespmem:s20+$0x20]  }
0x3e: {  	s17 =	sshrl.u32 s17, $0x2;
	v0 =	vld [tilespmem:s20+$0xFFFFFFC0];
	[tilespmem:s19+$0x1020 ss:$0x81] =	vst.msk $0xffff, v4;
	s20 =	sadd.s32 $0x80, s20  }
0x3f: {  	s21 =	simm.s32 $0x4;
	s22 =	simm.s32 $0x8;
	s17 =	sor.u32 $0x8000, s17;
	[tilespmem:s19+$0x1830 ss:$0x81] =	vst.msk $0xffff, v5;
	v4 =	vld [tilespmem:s20+$0x30]  }
.LBB1_3:
0x40: {  	p1 =	sne.s32 s22, $0x1FC;
	v5 =	vld [tilespmem:s20+$0xFFFFFFD0];
	[tilespmem:s19+$0x2040 ss:$0x81] =	vst.msk $0xffff, v1  }
0x41: {  	v6 =	vld [tilespmem:s20+$0xFFFFFFE0];
	[tilespmem:s19+$0x2850 ss:$0x81] =	vst.msk $0xffff, v2  }
0x42: {  	s23 =	sshra.s32 s21, $0x2;
	s21 =	smov.u32 s22;
	v7 =	vld [tilespmem:s20+$0xFFFFFFF0];
	[tilespmem:s19+$0x3060 ss:$0x81] =	vst.msk $0xffff, v3  }
.Ltmp3:
0x43: {  	v1 =	vld [tilespmem:s20+$0x0];
	[tilespmem:s19+$0x0 ss:$0x81] =	vst.msk $0xffff, v0;
	s19 =	sadd.s32 s23, s18;
	(pc) =	sbr.rel @p1 .LBB1_3-.Ltmp3, $4  }
0x44: {  	v2 =	vld [tilespmem:s20+$0x10];
	[tilespmem:s19+$0x3870 ss:$0x81] =	vst.msk $0xffff, v4  }
0x45: {  	[tilespmem:s19+$0x810 ss:$0x81] =	vst.msk $0xffff, v5;
	v3 =	vld [tilespmem:s20+$0x20]  }
0x46: {  	v0 =	vld [tilespmem:s20+$0xFFFFFFC0];
	[tilespmem:s19+$0x1020 ss:$0x81] =	vst.msk $0xffff, v6;
	s20 =	sadd.s32 $0x80, s20  }
0x47: {  	s22 =	sadd.s32 $0x4, s22;
	v4 =	vld [tilespmem:s20+$0x30];
	[tilespmem:s19+$0x1830 ss:$0x81] =	vst.msk $0xffff, v7  }
.Ltmp4:
0x48: {  	_ = 	snop;
	(pc) =	sbr.rel .LBB1_4-.Ltmp4, $1  }
0x49: {  	_ =	sdelay $0x3  }
.LBB1_6:
0x4a: {  	_ =	sfence.sel $0x180000  }
0x4b: {  	s2 =	simm.s32 $0x1;
	[bflag:$0x0] =	sbarrier.arrive $0xFFFF  }
0x4c: {  	s31 =	simm.s32 $0x2;
	[sflag:s2] =	ssyncpa.u1 $0x1  }
0x4d: {  	[sflag:s31] =	ssyncpa.u1 $0x1  }
0x4e: {  	p0 =	sne.s32 s0, $0x0;
	_ =	strace $0x9000004D  }
0x4f: {  	s0 =	sadd.s32 @!p0 $0x100000, s1;
	[bflag:$0x2] =	sbarrier.arrive $0xFFFF  }
0x50: {  	[sflag:s0] =	ssyncadd.tile.s32 @!p0 $0x1;
	_ =	shalt  }
.Lfunc_end1:
_tile_overlayer_lowered:
.L_overlay_start_2:
0x51: {  	(tag) =	ssettag $0x2  }
0x52: {  	s0 =	rddreg [dreg:$0x0];
	s2 =	stileid.u32  }
0x53: {  	s1 =	rddreg [dreg:$0x1];
	p0 =	sne.s32 s2, $0x0  }
0x54: {  	s3 =	rddreg [dreg:$0x2];
	[bflag:$0x3] =	sbarrier.arrive $0xFFFF;
	s2 =	simm.s32 @!p0 $0x1C01  }
0x55: {  	[timem:s3], [sflag:s2] =	dma.local @!p0 [hbm:s0], s1  }
0x56: {  	s0 =	simm.s32 @!p0 $0x1  }
0x57: {  	_ =	swait.ge @!p0 [sflag:s0], s1  }
0x58: {  	s1 =	ssub.s32 @!p0 $0x0, s1;
	[sflag:s0] =	ssyncset.done @!p0 $0x0  }
0x59: {  	[sflag:s0] =	ssyncadd.s32 @!p0 s1  }
0x5a: {  	[bflag:$0x3] =	sbarrier.arrive $0xFFFF  }
0x5b: {  	_ =	shalt  }

</sc_bundles>
